<compile_context>
chip_gen: v7x
topology: tpu7x:2x2x1
jax: 0.10.2.dev20260603
libtpu: 0.0.44.dev20260713+nightly
codegen_flags: <defaults>
</compile_context>

<pallas_src>
import functools
import math

import jax
import jax.numpy as jnp
import numpy as np
from jax import lax
from jax.experimental import pallas as pl
from jax.experimental.pallas import tpu as pltpu
from jax.experimental.pallas import tpu_sc as plsc

_NUM_FEATS = 128
_TEMPERATURE = 10000.0
_NC = 2
_NS = 16
_NW = _NC * _NS
_CH = 128


def _sc_gather(table, labels):
    b = labels.shape[0]
    d = table.shape[1]
    per_w = b // _NW
    n_ch = per_w // _CH
    nbuf = 3
    mesh = plsc.VectorSubcoreMesh(core_axis_name="c", subcore_axis_name="s")

    @functools.partial(
        pl.kernel,
        mesh=mesh,
        out_type=jax.ShapeDtypeStruct((b, d), jnp.float32),
        scratch_types=[
            pltpu.VMEM((n_ch, _CH), jnp.int32),
            pltpu.VMEM((_CH, d), jnp.float32),
            pltpu.VMEM((_CH, d), jnp.float32),
            pltpu.VMEM((_CH, d), jnp.float32),
            pltpu.SemaphoreType.DMA,
            pltpu.SemaphoreType.DMA,
            pltpu.SemaphoreType.DMA,
            pltpu.SemaphoreType.DMA,
            pltpu.SemaphoreType.DMA,
            pltpu.SemaphoreType.DMA,
            pltpu.SemaphoreType.DMA,
        ],
    )
    def gather_kernel(lab_hbm, table_hbm, out_hbm, idx_v, r0, r1, r2,
                      isem, g0, g1, g2, s0, s1, s2):
        wid = lax.axis_index("s") * _NC + lax.axis_index("c")
        base = wid * per_w
        bufs = (r0, r1, r2)
        gsems = (g0, g1, g2)
        ssems = (s0, s1, s2)
        idx_copies = [
            pltpu.async_copy(lab_hbm.at[pl.ds(base + c * _CH, _CH)], idx_v.at[c], isem)
            for c in range(n_ch)
        ]
        for cp in idx_copies:
            cp.wait()
        gathers = {}
        stores = {}
        for c in range(min(nbuf, n_ch)):
            gathers[c] = pltpu.async_copy(
                table_hbm.at[idx_v.at[c]], bufs[c % nbuf], gsems[c % nbuf]
            )
        for c in range(n_ch):
            gathers[c].wait()
            stores[c] = pltpu.async_copy(
                bufs[c % nbuf], out_hbm.at[pl.ds(base + c * _CH, _CH)], ssems[c % nbuf]
            )
            nxt = c + nbuf
            if nxt < n_ch:
                stores[c].wait()
                gathers[nxt] = pltpu.async_copy(
                    table_hbm.at[idx_v.at[nxt]], bufs[nxt % nbuf], gsems[nxt % nbuf]
                )
        for c in range(max(0, n_ch - nbuf), n_ch):
            stores[c].wait()

    return gather_kernel(labels, table)


_TWO_OVER_PI = float(np.float32(2.0 / np.pi))
_MAGIC = 12582912.0
_P1 = float(np.float32(np.pi / 2))
_P2 = float(np.float32(np.pi / 2 - np.float64(np.float32(np.pi / 2))))


def _sincos_sel(t, parity):
    j = (t * _TWO_OVER_PI + _MAGIC) - _MAGIC
    r = t - j * _P1
    r = r - j * _P2
    q = j.astype(jnp.int32) + parity
    r2 = r * r
    s = r + r * r2 * (-1.6658333e-1 + r2 * 8.0187609e-3)
    c = 1.0 + r2 * (-4.9985713e-1 + r2 * 4.0905953e-2)
    v = jnp.where((q & 1) == 0, s, c)
    sign = (q & 2) << 30
    return lax.bitcast_convert_type(
        lax.bitcast_convert_type(v, jnp.int32) ^ sign, jnp.float32
    )


def _tc_combine(gathered, coord_t, w, b, out_rows, blk_off, prev=None):
    n, d = gathered.shape
    nb = 4096

    def body(w_ref, b_ref, ct_ref, g_ref, *refs):
        out_ref = refs[-1]
        t = (
            lax.dot_general(
                ct_ref[...], w_ref[...], (((0,), (0,)), ((), ())),
                preferred_element_type=jnp.float32,
            )
            + b_ref[...]
        )
        ii = lax.broadcasted_iota(jnp.int32, (nb, 2 * _NUM_FEATS), 1)
        pos = _sincos_sel(t, ii & 1)
        out_ref[0, :, 0:256] = jnp.zeros((nb, 256), jnp.float32)
        out_ref[0, :, 256:512] = g_ref[...] + pos

    in_specs = [
        pl.BlockSpec((3, 2 * _NUM_FEATS), lambda i: (0, 0)),
        pl.BlockSpec((1, 2 * _NUM_FEATS), lambda i: (0, 0)),
        pl.BlockSpec((3, nb), lambda i: (0, i)),
        pl.BlockSpec((nb, d), lambda i: (i, 0)),
    ]
    inputs = [w, b, coord_t, gathered]
    io_alias = {}
    if prev is not None:
        in_specs.append(pl.BlockSpec(memory_space=pl.ANY))
        inputs.append(prev)
        io_alias = {4: 0}
    return pl.pallas_call(
        body,
        grid=(n // nb,),
        in_specs=in_specs,
        out_specs=pl.BlockSpec((1, nb, 2 * d), lambda i: (0, i + blk_off, 0)),
        out_shape=jax.ShapeDtypeStruct((1, out_rows, 2 * d), jnp.float32),
        input_output_aliases=io_alias,
    )(*inputs)


def kernel(point_coord, labels, pc_range, label_weight):
    n = labels.shape[0]
    half = n // 2
    g0 = _sc_gather(label_weight, labels[:half])
    g1 = _sc_gather(label_weight, labels[half:])
    i = np.arange(_NUM_FEATS, dtype=np.float32)
    dim_t = (_TEMPERATURE ** (2.0 * np.floor(i / 2.0) / _NUM_FEATS)).astype(np.float32)
    invd = jnp.asarray(1.0 / dim_t)
    scale = 2.0 * math.pi
    ax = scale / (pc_range[3] - pc_range[0])
    ay = scale / (pc_range[4] - pc_range[1])
    zero = jnp.zeros((_NUM_FEATS,), jnp.float32)
    w = jnp.stack(
        [
            jnp.concatenate([ax * invd, zero]),
            jnp.concatenate([zero, ay * invd]),
            jnp.zeros((2 * _NUM_FEATS,), jnp.float32),
        ]
    )
    b = jnp.concatenate([(-pc_range[0] * ax) * invd, (-pc_range[1] * ay) * invd])[None, :]
    coord_t = point_coord[0].T
    out0 = _tc_combine(g0, coord_t[:, :half], w, b, n, 0)
    out = _tc_combine(g1, coord_t[:, half:], w, b, n, half // 4096, prev=out0)
    return out

# --- scband reference (transcript-rebuilt; emitter-appended) ---
"""Pipeline reference for scband-point-encoder2-d-49529562857905 (READ-ONLY COPY).

The authoritative reference and input builder live on the scoring server;
editing this copy changes nothing except your own understanding.
"""

import math
import jax, jax.numpy as jnp
import numpy as np

NUM_CLASSES = 100000
NUM_FEATS = 128
N_POINTS = 16384
TEMPERATURE = 10000.0


def setup_inputs(seed: int = 0) -> dict:
    key = jax.random.key(seed)
    k1, k2, k3 = jax.random.split(key, 3)
    point_coord = jax.random.normal(k1, (1, N_POINTS, 3), dtype=jnp.float32)
    labels = jax.random.randint(k2, (N_POINTS,), 0, NUM_CLASSES, dtype=jnp.int32)
    pc_range = jnp.arange(6, dtype=jnp.float32)
    # learned embedding table, init uniform_ like the torch module
    label_weight = jax.random.uniform(k3, (NUM_CLASSES, 256), dtype=jnp.float32)
    return {"point_coord": point_coord, "labels": labels, "pc_range": pc_range, "label_weight": label_weight}


def _calc_emb(normed_coord, scale):
    # normed_coord: [N, >=2]
    nc = normed_coord * scale
    dim_t = jnp.arange(NUM_FEATS, dtype=jnp.float32)
    dim_t = TEMPERATURE ** (2.0 * jnp.floor(dim_t / 2.0) / NUM_FEATS)
    pos_x = nc[:, 0, None] / dim_t
    pos_y = nc[:, 1, None] / dim_t
    pos_x = jnp.stack((jnp.sin(pos_x[:, 0::2]), jnp.cos(pos_x[:, 1::2])), axis=2).reshape(pos_x.shape[0], -1)
    pos_y = jnp.stack((jnp.sin(pos_y[:, 0::2]), jnp.cos(pos_y[:, 1::2])), axis=2).reshape(pos_y.shape[0], -1)
    return jnp.concatenate((pos_x, pos_y), axis=-1)


def reference(point_coord, labels, pc_range, label_weight):
    scale = 2.0 * math.pi
    coord = point_coord[0]  # [N, 3]
    # embedding gather (SparseCore-friendly)
    label_embedding = jnp.take(label_weight, labels, axis=0)  # [N, 256]
    c0 = (coord[:, 0:1] - pc_range[0]) / (pc_range[3] - pc_range[0])
    c1 = (coord[:, 1:2] - pc_range[1]) / (pc_range[4] - pc_range[1])
    c2 = (coord[:, 2:3] - pc_range[2]) / (pc_range[5] - pc_range[2])
    normed = jnp.concatenate((c0, c1, c2), axis=-1)  # [N, 3]
    position_embedding = _calc_emb(normed, scale)  # [N, 256]
    query_embedding = label_embedding + position_embedding
    # pos is None -> query_pos = zeros_like(query_embedding)
    query_pos = jnp.zeros_like(query_embedding)
    query_embedding = jnp.concatenate((query_pos, query_embedding), axis=1)  # [N, 512]
    all_embeddings = query_embedding[None, :, :]  # [1, N, 512]
    return all_embeddings

if __name__ == "__main__":
    import jax
    _d = setup_inputs()
    print(jax.jit(kernel)(*tuple(_d.values())))

</pallas_src>

<mosaic_0001>
#map = affine_map<(d0, d1) -> (0)>
#map1 = affine_map<(d0, d1) -> (0, 0)>
module attributes {stable_mosaic.version = 14 : i64} {
  func.func @gather_kernel(%arg0: i32, %arg1: i32, %arg2: memref<8192xi32, #tpu.memory_space<hbm>>, %arg3: memref<100000x256xf32, #tpu.memory_space<hbm>>, %arg4: memref<8192x256xf32, #tpu.memory_space<hbm>>, %arg5: memref<2x128xi32, #tpu.memory_space<vmem>>, %arg6: memref<128x256xf32, #tpu.memory_space<vmem>>, %arg7: memref<128x256xf32, #tpu.memory_space<vmem>>, %arg8: memref<128x256xf32, #tpu.memory_space<vmem>>, %arg9: memref<!tpu.dma_semaphore, #tpu.memory_space<semaphore_mem>>, %arg10: memref<!tpu.dma_semaphore, #tpu.memory_space<semaphore_mem>>, %arg11: memref<!tpu.dma_semaphore, #tpu.memory_space<semaphore_mem>>, %arg12: memref<!tpu.dma_semaphore, #tpu.memory_space<semaphore_mem>>, %arg13: memref<!tpu.dma_semaphore, #tpu.memory_space<semaphore_mem>>, %arg14: memref<!tpu.dma_semaphore, #tpu.memory_space<semaphore_mem>>, %arg15: memref<!tpu.dma_semaphore, #tpu.memory_space<semaphore_mem>>) attributes {dimension_semantics = [#tpu.dimension_semantics<core_parallel>, #tpu.dimension_semantics<subcore_parallel>], iteration_bounds = array<i64: 2, 16>, scalar_prefetch = 0 : i64, scratch_operands = 11 : i64, tpu.core_type = #tpu.core_type<sc_vector_subcore>, window_params = [{transform_indices = #map}, {transform_indices = #map1}, {transform_indices = #map1}]} {
    %mul3A = arith.constant 2 : i32
    %mul3A_0 = arith.muli %arg1, %mul3A : i32
    %add3A = arith.addi %mul3A_0, %arg0 : i32
    %mul3A_1 = arith.constant 256 : i32
    %mul3A_2 = arith.muli %add3A, %mul3A_1 : i32
    %add3A_3 = arith.constant 0 : i32
    %add3A_4 = arith.addi %mul3A_2, %add3A_3 : i32
    %dma_start3A = arith.constant 0 : i32
    %dma_start3A_5 = arith.constant 0 : i32
    %dma_start3A_6 = tpu.memref_slice %arg5[%dma_start3A, %dma_start3A_5] : memref<2x128xi32, #tpu.memory_space<vmem>> -> memref<1x128xi32, #tpu.memory_space<vmem>>
    %dma_start3A_7 = tpu.memref_squeeze %dma_start3A_6 : memref<1x128xi32, #tpu.memory_space<vmem>> -> memref<128xi32, #tpu.memory_space<vmem>>
    %dma_start3A_8 = tpu.memref_slice %arg2[%add3A_4] : memref<8192xi32, #tpu.memory_space<hbm>> -> memref<128xi32, #tpu.memory_space<hbm>>
    %dma_start3A_9 = arith.constant 0 : i32
    %dma_start3A_10 = tpu.memref_slice %arg5[%dma_start3A, %dma_start3A_9] : memref<2x128xi32, #tpu.memory_space<vmem>> -> memref<1x128xi32, #tpu.memory_space<vmem>>
    %dma_start3A_11 = tpu.memref_squeeze %dma_start3A_10 : memref<1x128xi32, #tpu.memory_space<vmem>> -> memref<128xi32, #tpu.memory_space<vmem>>
    %dma_start3A_12 = tpu.memref_slice %arg2[%add3A_4] : memref<8192xi32, #tpu.memory_space<hbm>> -> memref<128xi32, #tpu.memory_space<hbm>>
    tpu.enqueue_dma source(%dma_start3A_12 : memref<128xi32, #tpu.memory_space<hbm>>) target(%dma_start3A_11 : memref<128xi32, #tpu.memory_space<vmem>>) target_semaphore(%arg9 : memref<!tpu.dma_semaphore, #tpu.memory_space<semaphore_mem>>)
    %add3A_13 = arith.constant 128 : i32
    %add3A_14 = arith.addi %mul3A_2, %add3A_13 : i32
    %dma_start3A_15 = arith.constant 1 : i32
    %dma_start3A_16 = arith.constant 0 : i32
    %dma_start3A_17 = tpu.memref_slice %arg5[%dma_start3A_15, %dma_start3A_16] : memref<2x128xi32, #tpu.memory_space<vmem>> -> memref<1x128xi32, #tpu.memory_space<vmem>>
    %dma_start3A_18 = tpu.memref_squeeze %dma_start3A_17 : memref<1x128xi32, #tpu.memory_space<vmem>> -> memref<128xi32, #tpu.memory_space<vmem>>
    %dma_start3A_19 = tpu.memref_slice %arg2[%add3A_14] : memref<8192xi32, #tpu.memory_space<hbm>> -> memref<128xi32, #tpu.memory_space<hbm>>
    %dma_start3A_20 = arith.constant 0 : i32
    %dma_start3A_21 = tpu.memref_slice %arg5[%dma_start3A_15, %dma_start3A_20] : memref<2x128xi32, #tpu.memory_space<vmem>> -> memref<1x128xi32, #tpu.memory_space<vmem>>
    %dma_start3A_22 = tpu.memref_squeeze %dma_start3A_21 : memref<1x128xi32, #tpu.memory_space<vmem>> -> memref<128xi32, #tpu.memory_space<vmem>>
    %dma_start3A_23 = tpu.memref_slice %arg2[%add3A_14] : memref<8192xi32, #tpu.memory_space<hbm>> -> memref<128xi32, #tpu.memory_space<hbm>>
    tpu.enqueue_dma source(%dma_start3A_23 : memref<128xi32, #tpu.memory_space<hbm>>) target(%dma_start3A_22 : memref<128xi32, #tpu.memory_space<vmem>>) target_semaphore(%arg9 : memref<!tpu.dma_semaphore, #tpu.memory_space<semaphore_mem>>)
    %dma_wait3A = arith.constant 0 : i32
    %dma_wait3A_24 = arith.constant 0 : i32
    %dma_wait3A_25 = tpu.memref_slice %arg5[%dma_wait3A, %dma_wait3A_24] : memref<2x128xi32, #tpu.memory_space<vmem>> -> memref<1x128xi32, #tpu.memory_space<vmem>>
    %dma_wait3A_26 = tpu.memref_squeeze %dma_wait3A_25 : memref<1x128xi32, #tpu.memory_space<vmem>> -> memref<128xi32, #tpu.memory_space<vmem>>
    %dma_wait3A_27 = tpu.memref_slice %arg2[%add3A_4] : memref<8192xi32, #tpu.memory_space<hbm>> -> memref<128xi32, #tpu.memory_space<hbm>>
    %dma_wait3A_28 = arith.constant 0 : i32
    %dma_wait3A_29 = tpu.memref_slice %arg5[%dma_wait3A, %dma_wait3A_28] : memref<2x128xi32, #tpu.memory_space<vmem>> -> memref<1x128xi32, #tpu.memory_space<vmem>>
    %dma_wait3A_30 = tpu.memref_squeeze %dma_wait3A_29 : memref<1x128xi32, #tpu.memory_space<vmem>> -> memref<128xi32, #tpu.memory_space<vmem>>
    %dma_wait3A_31 = tpu.memref_slice %arg2[%add3A_4] : memref<8192xi32, #tpu.memory_space<hbm>> -> memref<128xi32, #tpu.memory_space<hbm>>
    tpu.wait_dma2 semaphore(%arg9 : memref<!tpu.dma_semaphore, #tpu.memory_space<semaphore_mem>>) src(%dma_wait3A_31 : memref<128xi32, #tpu.memory_space<hbm>>) dst(%dma_wait3A_30 : memref<128xi32, #tpu.memory_space<vmem>>)
    %dma_wait3A_32 = arith.constant 1 : i32
    %dma_wait3A_33 = arith.constant 0 : i32
    %dma_wait3A_34 = tpu.memref_slice %arg5[%dma_wait3A_32, %dma_wait3A_33] : memref<2x128xi32, #tpu.memory_space<vmem>> -> memref<1x128xi32, #tpu.memory_space<vmem>>
    %dma_wait3A_35 = tpu.memref_squeeze %dma_wait3A_34 : memref<1x128xi32, #tpu.memory_space<vmem>> -> memref<128xi32, #tpu.memory_space<vmem>>
    %dma_wait3A_36 = tpu.memref_slice %arg2[%add3A_14] : memref<8192xi32, #tpu.memory_space<hbm>> -> memref<128xi32, #tpu.memory_space<hbm>>
    %dma_wait3A_37 = arith.constant 0 : i32
    %dma_wait3A_38 = tpu.memref_slice %arg5[%dma_wait3A_32, %dma_wait3A_37] : memref<2x128xi32, #tpu.memory_space<vmem>> -> memref<1x128xi32, #tpu.memory_space<vmem>>
    %dma_wait3A_39 = tpu.memref_squeeze %dma_wait3A_38 : memref<1x128xi32, #tpu.memory_space<vmem>> -> memref<128xi32, #tpu.memory_space<vmem>>
    %dma_wait3A_40 = tpu.memref_slice %arg2[%add3A_14] : memref<8192xi32, #tpu.memory_space<hbm>> -> memref<128xi32, #tpu.memory_space<hbm>>
    tpu.wait_dma2 semaphore(%arg9 : memref<!tpu.dma_semaphore, #tpu.memory_space<semaphore_mem>>) src(%dma_wait3A_40 : memref<128xi32, #tpu.memory_space<hbm>>) dst(%dma_wait3A_39 : memref<128xi32, #tpu.memory_space<vmem>>)
    %dma_start3A_41 = arith.constant 0 : i32
    %dma_start3A_42 = arith.constant 0 : i32
    %dma_start3A_43 = tpu.memref_slice %arg5[%dma_start3A_41, %dma_start3A_42] : memref<2x128xi32, #tpu.memory_space<vmem>> -> memref<1x128xi32, #tpu.memory_space<vmem>>
    %dma_start3A_44 = tpu.memref_squeeze %dma_start3A_43 : memref<1x128xi32, #tpu.memory_space<vmem>> -> memref<128xi32, #tpu.memory_space<vmem>>
    %dma_start3A_45 = arith.constant 0 : i32
    %dma_start3A_46 = arith.constant 0 : i32
    %dma_start3A_47 = tpu.memref_slice %arg3[%dma_start3A_45, %dma_start3A_46] : memref<100000x256xf32, #tpu.memory_space<hbm>> -> memref<100000x256xf32, #tpu.memory_space<hbm>>
    tpu.enqueue_indirect_dma source(%dma_start3A_47 : memref<100000x256xf32, #tpu.memory_space<hbm>>) target(%arg6 : memref<128x256xf32, #tpu.memory_space<vmem>>) offsets(%dma_start3A_44 : memref<128xi32, #tpu.memory_space<vmem>>) semaphore(%arg10 : memref<!tpu.dma_semaphore, #tpu.memory_space<semaphore_mem>>)
    %dma_start3A_48 = arith.constant 1 : i32
    %dma_start3A_49 = arith.constant 0 : i32
    %dma_start3A_50 = tpu.memref_slice %arg5[%dma_start3A_48, %dma_start3A_49] : memref<2x128xi32, #tpu.memory_space<vmem>> -> memref<1x128xi32, #tpu.memory_space<vmem>>
    %dma_start3A_51 = tpu.memref_squeeze %dma_start3A_50 : memref<1x128xi32, #tpu.memory_space<vmem>> -> memref<128xi32, #tpu.memory_space<vmem>>
    %dma_start3A_52 = arith.constant 0 : i32
    %dma_start3A_53 = arith.constant 0 : i32
    %dma_start3A_54 = tpu.memref_slice %arg3[%dma_start3A_52, %dma_start3A_53] : memref<100000x256xf32, #tpu.memory_space<hbm>> -> memref<100000x256xf32, #tpu.memory_space<hbm>>
    tpu.enqueue_indirect_dma source(%dma_start3A_54 : memref<100000x256xf32, #tpu.memory_space<hbm>>) target(%arg7 : memref<128x256xf32, #tpu.memory_space<vmem>>) offsets(%dma_start3A_51 : memref<128xi32, #tpu.memory_space<vmem>>) semaphore(%arg11 : memref<!tpu.dma_semaphore, #tpu.memory_space<semaphore_mem>>)
    %dma_wait3A_55 = arith.constant 0 : i32
    %dma_wait3A_56 = arith.constant 0 : i32
    %dma_wait3A_57 = tpu.memref_slice %arg5[%dma_wait3A_55, %dma_wait3A_56] : memref<2x128xi32, #tpu.memory_space<vmem>> -> memref<1x128xi32, #tpu.memory_space<vmem>>
    %dma_wait3A_58 = tpu.memref_squeeze %dma_wait3A_57 : memref<1x128xi32, #tpu.memory_space<vmem>> -> memref<128xi32, #tpu.memory_space<vmem>>
    %dma_wait3A_59 = arith.constant 0 : i32
    %dma_wait3A_60 = arith.constant 0 : i32
    %dma_wait3A_61 = tpu.memref_slice %arg3[%dma_wait3A_59, %dma_wait3A_60] : memref<100000x256xf32, #tpu.memory_space<hbm>> -> memref<100000x256xf32, #tpu.memory_space<hbm>>
    tpu.wait_indirect_dma semaphore(%arg10 : memref<!tpu.dma_semaphore, #tpu.memory_space<semaphore_mem>>) src(%dma_wait3A_61 : memref<100000x256xf32, #tpu.memory_space<hbm>>) dst(%arg6 : memref<128x256xf32, #tpu.memory_space<vmem>>)
    %add3A_62 = arith.constant 0 : i32
    %add3A_63 = arith.addi %mul3A_2, %add3A_62 : i32
    %dma_start3A_64 = arith.constant 0 : i32
    %dma_start3A_65 = tpu.memref_slice %arg4[%add3A_63, %dma_start3A_64] : memref<8192x256xf32, #tpu.memory_space<hbm>> -> memref<128x256xf32, #tpu.memory_space<hbm>>
    %dma_start3A_66 = arith.constant 0 : i32
    %dma_start3A_67 = tpu.memref_slice %arg4[%add3A_63, %dma_start3A_66] : memref<8192x256xf32, #tpu.memory_space<hbm>> -> memref<128x256xf32, #tpu.memory_space<hbm>>
    tpu.enqueue_dma source(%arg6 : memref<128x256xf32, #tpu.memory_space<vmem>>) target(%dma_start3A_67 : memref<128x256xf32, #tpu.memory_space<hbm>>) target_semaphore(%arg13 : memref<!tpu.dma_semaphore, #tpu.memory_space<semaphore_mem>>)
    %dma_wait3A_68 = arith.constant 1 : i32
    %dma_wait3A_69 = arith.constant 0 : i32
    %dma_wait3A_70 = tpu.memref_slice %arg5[%dma_wait3A_68, %dma_wait3A_69] : memref<2x128xi32, #tpu.memory_space<vmem>> -> memref<1x128xi32, #tpu.memory_space<vmem>>
    %dma_wait3A_71 = tpu.memref_squeeze %dma_wait3A_70 : memref<1x128xi32, #tpu.memory_space<vmem>> -> memref<128xi32, #tpu.memory_space<vmem>>
    %dma_wait3A_72 = arith.constant 0 : i32
    %dma_wait3A_73 = arith.constant 0 : i32
    %dma_wait3A_74 = tpu.memref_slice %arg3[%dma_wait3A_72, %dma_wait3A_73] : memref<100000x256xf32, #tpu.memory_space<hbm>> -> memref<100000x256xf32, #tpu.memory_space<hbm>>
    tpu.wait_indirect_dma semaphore(%arg11 : memref<!tpu.dma_semaphore, #tpu.memory_space<semaphore_mem>>) src(%dma_wait3A_74 : memref<100000x256xf32, #tpu.memory_space<hbm>>) dst(%arg7 : memref<128x256xf32, #tpu.memory_space<vmem>>)
    %add3A_75 = arith.constant 128 : i32
    %add3A_76 = arith.addi %mul3A_2, %add3A_75 : i32
    %dma_start3A_77 = arith.constant 0 : i32
    %dma_start3A_78 = tpu.memref_slice %arg4[%add3A_76, %dma_start3A_77] : memref<8192x256xf32, #tpu.memory_space<hbm>> -> memref<128x256xf32, #tpu.memory_space<hbm>>
    %dma_start3A_79 = arith.constant 0 : i32
    %dma_start3A_80 = tpu.memref_slice %arg4[%add3A_76, %dma_start3A_79] : memref<8192x256xf32, #tpu.memory_space<hbm>> -> memref<128x256xf32, #tpu.memory_space<hbm>>
    tpu.enqueue_dma source(%arg7 : memref<128x256xf32, #tpu.memory_space<vmem>>) target(%dma_start3A_80 : memref<128x256xf32, #tpu.memory_space<hbm>>) target_semaphore(%arg14 : memref<!tpu.dma_semaphore, #tpu.memory_space<semaphore_mem>>)
    %dma_wait3A_81 = arith.constant 0 : i32
    %dma_wait3A_82 = tpu.memref_slice %arg4[%add3A_63, %dma_wait3A_81] : memref<8192x256xf32, #tpu.memory_space<hbm>> -> memref<128x256xf32, #tpu.memory_space<hbm>>
    %dma_wait3A_83 = arith.constant 0 : i32
    %dma_wait3A_84 = tpu.memref_slice %arg4[%add3A_63, %dma_wait3A_83] : memref<8192x256xf32, #tpu.memory_space<hbm>> -> memref<128x256xf32, #tpu.memory_space<hbm>>
    tpu.wait_dma2 semaphore(%arg13 : memref<!tpu.dma_semaphore, #tpu.memory_space<semaphore_mem>>) src(%arg6 : memref<128x256xf32, #tpu.memory_space<vmem>>) dst(%dma_wait3A_84 : memref<128x256xf32, #tpu.memory_space<hbm>>)
    %dma_wait3A_85 = arith.constant 0 : i32
    %dma_wait3A_86 = tpu.memref_slice %arg4[%add3A_76, %dma_wait3A_85] : memref<8192x256xf32, #tpu.memory_space<hbm>> -> memref<128x256xf32, #tpu.memory_space<hbm>>
    %dma_wait3A_87 = arith.constant 0 : i32
    %dma_wait3A_88 = tpu.memref_slice %arg4[%add3A_76, %dma_wait3A_87] : memref<8192x256xf32, #tpu.memory_space<hbm>> -> memref<128x256xf32, #tpu.memory_space<hbm>>
    tpu.wait_dma2 semaphore(%arg14 : memref<!tpu.dma_semaphore, #tpu.memory_space<semaphore_mem>>) src(%arg7 : memref<128x256xf32, #tpu.memory_space<vmem>>) dst(%dma_wait3A_88 : memref<128x256xf32, #tpu.memory_space<hbm>>)
    return
  }
}

#map = affine_map<(d0, d1) -> (0)>
#map1 = affine_map<(d0, d1) -> (0, 0)>
module attributes {stable_mosaic.version = 14 : i64} {
  func.func @gather_kernel(%arg0: i32, %arg1: i32, %arg2: memref<8192xi32, #tpu.memory_space<hbm>>, %arg3: memref<100000x256xf32, #tpu.memory_space<hbm>>, %arg4: memref<8192x256xf32, #tpu.memory_space<hbm>>, %arg5: memref<2x128xi32, #tpu.memory_space<vmem>>, %arg6: memref<128x256xf32, #tpu.memory_space<vmem>>, %arg7: memref<128x256xf32, #tpu.memory_space<vmem>>, %arg8: memref<128x256xf32, #tpu.memory_space<vmem>>, %arg9: memref<!tpu.dma_semaphore, #tpu.memory_space<semaphore_mem>>, %arg10: memref<!tpu.dma_semaphore, #tpu.memory_space<semaphore_mem>>, %arg11: memref<!tpu.dma_semaphore, #tpu.memory_space<semaphore_mem>>, %arg12: memref<!tpu.dma_semaphore, #tpu.memory_space<semaphore_mem>>, %arg13: memref<!tpu.dma_semaphore, #tpu.memory_space<semaphore_mem>>, %arg14: memref<!tpu.dma_semaphore, #tpu.memory_space<semaphore_mem>>, %arg15: memref<!tpu.dma_semaphore, #tpu.memory_space<semaphore_mem>>) attributes {dimension_semantics = [#tpu.dimension_semantics<core_parallel>, #tpu.dimension_semantics<subcore_parallel>], iteration_bounds = array<i64: 2, 16>, scalar_prefetch = 0 : i64, scratch_operands = 11 : i64, tpu.core_type = #tpu.core_type<sc_vector_subcore>, window_params = [{transform_indices = #map}, {transform_indices = #map1}, {transform_indices = #map1}]} {
    %mul3A = arith.constant 2 : i32
    %mul3A_0 = arith.muli %arg1, %mul3A : i32
    %add3A = arith.addi %mul3A_0, %arg0 : i32
    %mul3A_1 = arith.constant 256 : i32
    %mul3A_2 = arith.muli %add3A, %mul3A_1 : i32
    %add3A_3 = arith.constant 0 : i32
    %add3A_4 = arith.addi %mul3A_2, %add3A_3 : i32
    %dma_start3A = arith.constant 0 : i32
    %dma_start3A_5 = arith.constant 0 : i32
    %dma_start3A_6 = tpu.memref_slice %arg5[%dma_start3A, %dma_start3A_5] : memref<2x128xi32, #tpu.memory_space<vmem>> -> memref<1x128xi32, #tpu.memory_space<vmem>>
    %dma_start3A_7 = tpu.memref_squeeze %dma_start3A_6 : memref<1x128xi32, #tpu.memory_space<vmem>> -> memref<128xi32, #tpu.memory_space<vmem>>
    %dma_start3A_8 = tpu.memref_slice %arg2[%add3A_4] : memref<8192xi32, #tpu.memory_space<hbm>> -> memref<128xi32, #tpu.memory_space<hbm>>
    %dma_start3A_9 = arith.constant 0 : i32
    %dma_start3A_10 = tpu.memref_slice %arg5[%dma_start3A, %dma_start3A_9] : memref<2x128xi32, #tpu.memory_space<vmem>> -> memref<1x128xi32, #tpu.memory_space<vmem>>
    %dma_start3A_11 = tpu.memref_squeeze %dma_start3A_10 : memref<1x128xi32, #tpu.memory_space<vmem>> -> memref<128xi32, #tpu.memory_space<vmem>>
    %dma_start3A_12 = tpu.memref_slice %arg2[%add3A_4] : memref<8192xi32, #tpu.memory_space<hbm>> -> memref<128xi32, #tpu.memory_space<hbm>>
    tpu.enqueue_dma source(%dma_start3A_12 : memref<128xi32, #tpu.memory_space<hbm>>) target(%dma_start3A_11 : memref<128xi32, #tpu.memory_space<vmem>>) target_semaphore(%arg9 : memref<!tpu.dma_semaphore, #tpu.memory_space<semaphore_mem>>)
    %add3A_13 = arith.constant 128 : i32
    %add3A_14 = arith.addi %mul3A_2, %add3A_13 : i32
    %dma_start3A_15 = arith.constant 1 : i32
    %dma_start3A_16 = arith.constant 0 : i32
    %dma_start3A_17 = tpu.memref_slice %arg5[%dma_start3A_15, %dma_start3A_16] : memref<2x128xi32, #tpu.memory_space<vmem>> -> memref<1x128xi32, #tpu.memory_space<vmem>>
    %dma_start3A_18 = tpu.memref_squeeze %dma_start3A_17 : memref<1x128xi32, #tpu.memory_space<vmem>> -> memref<128xi32, #tpu.memory_space<vmem>>
    %dma_start3A_19 = tpu.memref_slice %arg2[%add3A_14] : memref<8192xi32, #tpu.memory_space<hbm>> -> memref<128xi32, #tpu.memory_space<hbm>>
    %dma_start3A_20 = arith.constant 0 : i32
    %dma_start3A_21 = tpu.memref_slice %arg5[%dma_start3A_15, %dma_start3A_20] : memref<2x128xi32, #tpu.memory_space<vmem>> -> memref<1x128xi32, #tpu.memory_space<vmem>>
    %dma_start3A_22 = tpu.memref_squeeze %dma_start3A_21 : memref<1x128xi32, #tpu.memory_space<vmem>> -> memref<128xi32, #tpu.memory_space<vmem>>
    %dma_start3A_23 = tpu.memref_slice %arg2[%add3A_14] : memref<8192xi32, #tpu.memory_space<hbm>> -> memref<128xi32, #tpu.memory_space<hbm>>
    tpu.enqueue_dma source(%dma_start3A_23 : memref<128xi32, #tpu.memory_space<hbm>>) target(%dma_start3A_22 : memref<128xi32, #tpu.memory_space<vmem>>) target_semaphore(%arg9 : memref<!tpu.dma_semaphore, #tpu.memory_space<semaphore_mem>>)
    %dma_wait3A = arith.constant 0 : i32
    %dma_wait3A_24 = arith.constant 0 : i32
    %dma_wait3A_25 = tpu.memref_slice %arg5[%dma_wait3A, %dma_wait3A_24] : memref<2x128xi32, #tpu.memory_space<vmem>> -> memref<1x128xi32, #tpu.memory_space<vmem>>
    %dma_wait3A_26 = tpu.memref_squeeze %dma_wait3A_25 : memref<1x128xi32, #tpu.memory_space<vmem>> -> memref<128xi32, #tpu.memory_space<vmem>>
    %dma_wait3A_27 = tpu.memref_slice %arg2[%add3A_4] : memref<8192xi32, #tpu.memory_space<hbm>> -> memref<128xi32, #tpu.memory_space<hbm>>
    %dma_wait3A_28 = arith.constant 0 : i32
    %dma_wait3A_29 = tpu.memref_slice %arg5[%dma_wait3A, %dma_wait3A_28] : memref<2x128xi32, #tpu.memory_space<vmem>> -> memref<1x128xi32, #tpu.memory_space<vmem>>
    %dma_wait3A_30 = tpu.memref_squeeze %dma_wait3A_29 : memref<1x128xi32, #tpu.memory_space<vmem>> -> memref<128xi32, #tpu.memory_space<vmem>>
    %dma_wait3A_31 = tpu.memref_slice %arg2[%add3A_4] : memref<8192xi32, #tpu.memory_space<hbm>> -> memref<128xi32, #tpu.memory_space<hbm>>
    tpu.wait_dma2 semaphore(%arg9 : memref<!tpu.dma_semaphore, #tpu.memory_space<semaphore_mem>>) src(%dma_wait3A_31 : memref<128xi32, #tpu.memory_space<hbm>>) dst(%dma_wait3A_30 : memref<128xi32, #tpu.memory_space<vmem>>)
    %dma_wait3A_32 = arith.constant 1 : i32
    %dma_wait3A_33 = arith.constant 0 : i32
    %dma_wait3A_34 = tpu.memref_slice %arg5[%dma_wait3A_32, %dma_wait3A_33] : memref<2x128xi32, #tpu.memory_space<vmem>> -> memref<1x128xi32, #tpu.memory_space<vmem>>
    %dma_wait3A_35 = tpu.memref_squeeze %dma_wait3A_34 : memref<1x128xi32, #tpu.memory_space<vmem>> -> memref<128xi32, #tpu.memory_space<vmem>>
    %dma_wait3A_36 = tpu.memref_slice %arg2[%add3A_14] : memref<8192xi32, #tpu.memory_space<hbm>> -> memref<128xi32, #tpu.memory_space<hbm>>
    %dma_wait3A_37 = arith.constant 0 : i32
    %dma_wait3A_38 = tpu.memref_slice %arg5[%dma_wait3A_32, %dma_wait3A_37] : memref<2x128xi32, #tpu.memory_space<vmem>> -> memref<1x128xi32, #tpu.memory_space<vmem>>
    %dma_wait3A_39 = tpu.memref_squeeze %dma_wait3A_38 : memref<1x128xi32, #tpu.memory_space<vmem>> -> memref<128xi32, #tpu.memory_space<vmem>>
    %dma_wait3A_40 = tpu.memref_slice %arg2[%add3A_14] : memref<8192xi32, #tpu.memory_space<hbm>> -> memref<128xi32, #tpu.memory_space<hbm>>
    tpu.wait_dma2 semaphore(%arg9 : memref<!tpu.dma_semaphore, #tpu.memory_space<semaphore_mem>>) src(%dma_wait3A_40 : memref<128xi32, #tpu.memory_space<hbm>>) dst(%dma_wait3A_39 : memref<128xi32, #tpu.memory_space<vmem>>)
    %dma_start3A_41 = arith.constant 0 : i32
    %dma_start3A_42 = arith.constant 0 : i32
    %dma_start3A_43 = tpu.memref_slice %arg5[%dma_start3A_41, %dma_start3A_42] : memref<2x128xi32, #tpu.memory_space<vmem>> -> memref<1x128xi32, #tpu.memory_space<vmem>>
    %dma_start3A_44 = tpu.memref_squeeze %dma_start3A_43 : memref<1x128xi32, #tpu.memory_space<vmem>> -> memref<128xi32, #tpu.memory_space<vmem>>
    %dma_start3A_45 = arith.constant 0 : i32
    %dma_start3A_46 = arith.constant 0 : i32
    %dma_start3A_47 = tpu.memref_slice %arg3[%dma_start3A_45, %dma_start3A_46] : memref<100000x256xf32, #tpu.memory_space<hbm>> -> memref<100000x256xf32, #tpu.memory_space<hbm>>
    tpu.enqueue_indirect_dma source(%dma_start3A_47 : memref<100000x256xf32, #tpu.memory_space<hbm>>) target(%arg6 : memref<128x256xf32, #tpu.memory_space<vmem>>) offsets(%dma_start3A_44 : memref<128xi32, #tpu.memory_space<vmem>>) semaphore(%arg10 : memref<!tpu.dma_semaphore, #tpu.memory_space<semaphore_mem>>)
    %dma_start3A_48 = arith.constant 1 : i32
    %dma_start3A_49 = arith.constant 0 : i32
    %dma_start3A_50 = tpu.memref_slice %arg5[%dma_start3A_48, %dma_start3A_49] : memref<2x128xi32, #tpu.memory_space<vmem>> -> memref<1x128xi32, #tpu.memory_space<vmem>>
    %dma_start3A_51 = tpu.memref_squeeze %dma_start3A_50 : memref<1x128xi32, #tpu.memory_space<vmem>> -> memref<128xi32, #tpu.memory_space<vmem>>
    %dma_start3A_52 = arith.constant 0 : i32
    %dma_start3A_53 = arith.constant 0 : i32
    %dma_start3A_54 = tpu.memref_slice %arg3[%dma_start3A_52, %dma_start3A_53] : memref<100000x256xf32, #tpu.memory_space<hbm>> -> memref<100000x256xf32, #tpu.memory_space<hbm>>
    tpu.enqueue_indirect_dma source(%dma_start3A_54 : memref<100000x256xf32, #tpu.memory_space<hbm>>) target(%arg7 : memref<128x256xf32, #tpu.memory_space<vmem>>) offsets(%dma_start3A_51 : memref<128xi32, #tpu.memory_space<vmem>>) semaphore(%arg11 : memref<!tpu.dma_semaphore, #tpu.memory_space<semaphore_mem>>)
    %dma_wait3A_55 = arith.constant 0 : i32
    %dma_wait3A_56 = arith.constant 0 : i32
    %dma_wait3A_57 = tpu.memref_slice %arg5[%dma_wait3A_55, %dma_wait3A_56] : memref<2x128xi32, #tpu.memory_space<vmem>> -> memref<1x128xi32, #tpu.memory_space<vmem>>
    %dma_wait3A_58 = tpu.memref_squeeze %dma_wait3A_57 : memref<1x128xi32, #tpu.memory_space<vmem>> -> memref<128xi32, #tpu.memory_space<vmem>>
    %dma_wait3A_59 = arith.constant 0 : i32
    %dma_wait3A_60 = arith.constant 0 : i32
    %dma_wait3A_61 = tpu.memref_slice %arg3[%dma_wait3A_59, %dma_wait3A_60] : memref<100000x256xf32, #tpu.memory_space<hbm>> -> memref<100000x256xf32, #tpu.memory_space<hbm>>
    tpu.wait_indirect_dma semaphore(%arg10 : memref<!tpu.dma_semaphore, #tpu.memory_space<semaphore_mem>>) src(%dma_wait3A_61 : memref<100000x256xf32, #tpu.memory_space<hbm>>) dst(%arg6 : memref<128x256xf32, #tpu.memory_space<vmem>>)
    %add3A_62 = arith.constant 0 : i32
    %add3A_63 = arith.addi %mul3A_2, %add3A_62 : i32
    %dma_start3A_64 = arith.constant 0 : i32
    %dma_start3A_65 = tpu.memref_slice %arg4[%add3A_63, %dma_start3A_64] : memref<8192x256xf32, #tpu.memory_space<hbm>> -> memref<128x256xf32, #tpu.memory_space<hbm>>
    %dma_start3A_66 = arith.constant 0 : i32
    %dma_start3A_67 = tpu.memref_slice %arg4[%add3A_63, %dma_start3A_66] : memref<8192x256xf32, #tpu.memory_space<hbm>> -> memref<128x256xf32, #tpu.memory_space<hbm>>
    tpu.enqueue_dma source(%arg6 : memref<128x256xf32, #tpu.memory_space<vmem>>) target(%dma_start3A_67 : memref<128x256xf32, #tpu.memory_space<hbm>>) target_semaphore(%arg13 : memref<!tpu.dma_semaphore, #tpu.memory_space<semaphore_mem>>)
    %dma_wait3A_68 = arith.constant 1 : i32
    %dma_wait3A_69 = arith.constant 0 : i32
    %dma_wait3A_70 = tpu.memref_slice %arg5[%dma_wait3A_68, %dma_wait3A_69] : memref<2x128xi32, #tpu.memory_space<vmem>> -> memref<1x128xi32, #tpu.memory_space<vmem>>
    %dma_wait3A_71 = tpu.memref_squeeze %dma_wait3A_70 : memref<1x128xi32, #tpu.memory_space<vmem>> -> memref<128xi32, #tpu.memory_space<vmem>>
    %dma_wait3A_72 = arith.constant 0 : i32
    %dma_wait3A_73 = arith.constant 0 : i32
    %dma_wait3A_74 = tpu.memref_slice %arg3[%dma_wait3A_72, %dma_wait3A_73] : memref<100000x256xf32, #tpu.memory_space<hbm>> -> memref<100000x256xf32, #tpu.memory_space<hbm>>
    tpu.wait_indirect_dma semaphore(%arg11 : memref<!tpu.dma_semaphore, #tpu.memory_space<semaphore_mem>>) src(%dma_wait3A_74 : memref<100000x256xf32, #tpu.memory_space<hbm>>) dst(%arg7 : memref<128x256xf32, #tpu.memory_space<vmem>>)
    %add3A_75 = arith.constant 128 : i32
    %add3A_76 = arith.addi %mul3A_2, %add3A_75 : i32
    %dma_start3A_77 = arith.constant 0 : i32
    %dma_start3A_78 = tpu.memref_slice %arg4[%add3A_76, %dma_start3A_77] : memref<8192x256xf32, #tpu.memory_space<hbm>> -> memref<128x256xf32, #tpu.memory_space<hbm>>
    %dma_start3A_79 = arith.constant 0 : i32
    %dma_start3A_80 = tpu.memref_slice %arg4[%add3A_76, %dma_start3A_79] : memref<8192x256xf32, #tpu.memory_space<hbm>> -> memref<128x256xf32, #tpu.memory_space<hbm>>
    tpu.enqueue_dma source(%arg7 : memref<128x256xf32, #tpu.memory_space<vmem>>) target(%dma_start3A_80 : memref<128x256xf32, #tpu.memory_space<hbm>>) target_semaphore(%arg14 : memref<!tpu.dma_semaphore, #tpu.memory_space<semaphore_mem>>)
    %dma_wait3A_81 = arith.constant 0 : i32
    %dma_wait3A_82 = tpu.memref_slice %arg4[%add3A_63, %dma_wait3A_81] : memref<8192x256xf32, #tpu.memory_space<hbm>> -> memref<128x256xf32, #tpu.memory_space<hbm>>
    %dma_wait3A_83 = arith.constant 0 : i32
    %dma_wait3A_84 = tpu.memref_slice %arg4[%add3A_63, %dma_wait3A_83] : memref<8192x256xf32, #tpu.memory_space<hbm>> -> memref<128x256xf32, #tpu.memory_space<hbm>>
    tpu.wait_dma2 semaphore(%arg13 : memref<!tpu.dma_semaphore, #tpu.memory_space<semaphore_mem>>) src(%arg6 : memref<128x256xf32, #tpu.memory_space<vmem>>) dst(%dma_wait3A_84 : memref<128x256xf32, #tpu.memory_space<hbm>>)
    %dma_wait3A_85 = arith.constant 0 : i32
    %dma_wait3A_86 = tpu.memref_slice %arg4[%add3A_76, %dma_wait3A_85] : memref<8192x256xf32, #tpu.memory_space<hbm>> -> memref<128x256xf32, #tpu.memory_space<hbm>>
    %dma_wait3A_87 = arith.constant 0 : i32
    %dma_wait3A_88 = tpu.memref_slice %arg4[%add3A_76, %dma_wait3A_87] : memref<8192x256xf32, #tpu.memory_space<hbm>> -> memref<128x256xf32, #tpu.memory_space<hbm>>
    tpu.wait_dma2 semaphore(%arg14 : memref<!tpu.dma_semaphore, #tpu.memory_space<semaphore_mem>>) src(%arg7 : memref<128x256xf32, #tpu.memory_space<vmem>>) dst(%dma_wait3A_88 : memref<128x256xf32, #tpu.memory_space<hbm>>)
    return
  }
}

module attributes {stable_mosaic.version = 14 : i64} {
  func.func @body(%arg0: i32, %arg1: memref<3x256xf32, #tpu.memory_space<vmem>>, %arg2: memref<1x256xf32, #tpu.memory_space<vmem>>, %arg3: memref<3x4096xf32, #tpu.memory_space<vmem>>, %arg4: memref<4096x256xf32, #tpu.memory_space<vmem>>, %arg5: memref<1x4096x512xf32, #tpu.memory_space<vmem>>) attributes {dimension_semantics = [#tpu.dimension_semantics<arbitrary>], iteration_bounds = array<i64: 2>, scalar_prefetch = 0 : i64, scratch_operands = 0 : i64, tpu.core_type = #tpu.core_type<tc>, window_params = [{pipeline_mode = #tpu.pipeline_mode<synchronous>, transform_indices = @transform_0, window_bounds = array<i64: 3, 256>}, {pipeline_mode = #tpu.pipeline_mode<synchronous>, transform_indices = @transform_1, window_bounds = array<i64: 1, 256>}, {transform_indices = @transform_2, window_bounds = array<i64: 3, 4096>}, {transform_indices = @transform_3, window_bounds = array<i64: 4096, 256>}, {transform_indices = @transform_4, window_bounds = array<i64: 1, 4096, 512>}]} {
    %get3A = arith.constant 0 : index
    %get3A_0 = arith.constant 0 : index
    %get3A_1 = vector.load %arg3[%get3A, %get3A_0] : memref<3x4096xf32, #tpu.memory_space<vmem>>, vector<3x4096xf32>
    %get3A_2 = arith.constant 0 : index
    %get3A_3 = arith.constant 0 : index
    %get3A_4 = vector.load %arg1[%get3A_2, %get3A_3] : memref<3x256xf32, #tpu.memory_space<vmem>>, vector<3x256xf32>
    %dot_general3A = arith.constant dense<0.000000e+00> : vector<4096x256xf32>
    %dot_general3A_5 = tpu.matmul %get3A_1, %get3A_4, %dot_general3A {dimension_numbers = #tpu.dot_dimension_numbers<[0], [0], [1], [1], [0, 1, 1, 1], [], []>, transpose_lhs_hint = false} : vector<3x4096xf32>, vector<3x256xf32>, vector<4096x256xf32> -> vector<4096x256xf32>
    %get3A_6 = arith.constant 0 : index
    %get3A_7 = arith.constant 0 : index
    %get3A_8 = vector.load %arg2[%get3A_6, %get3A_7] : memref<1x256xf32, #tpu.memory_space<vmem>>, vector<1x256xf32>
    %add3A = vector.broadcast %get3A_8 : vector<1x256xf32> to vector<4096x256xf32>
    %add3A_9 = arith.addf %dot_general3A_5, %add3A : vector<4096x256xf32>
    %iota3A = tpu.iota {dimensions = array<i32: 1>} : vector<4096x256xi32>
    %and3A = arith.constant 1 : i32
    %and3A_10 = vector.broadcast %and3A : i32 to vector<4096x256xi32>
    %and3A_11 = arith.andi %iota3A, %and3A_10 : vector<4096x256xi32>
    %mul3A = arith.constant 0.636619746 : f32
    %mul3A_12 = vector.broadcast %mul3A : f32 to vector<4096x256xf32>
    %mul3A_13 = arith.mulf %add3A_9, %mul3A_12 : vector<4096x256xf32>
    %add3A_14 = arith.constant 0x4B400000 : f32
    %add3A_15 = vector.broadcast %add3A_14 : f32 to vector<4096x256xf32>
    %add3A_16 = arith.addf %mul3A_13, %add3A_15 : vector<4096x256xf32>
    %sub3A = arith.constant 0x4B400000 : f32
    %sub3A_17 = vector.broadcast %sub3A : f32 to vector<4096x256xf32>
    %sub3A_18 = arith.subf %add3A_16, %sub3A_17 : vector<4096x256xf32>
    %mul3A_19 = arith.constant 1.57079637 : f32
    %mul3A_20 = vector.broadcast %mul3A_19 : f32 to vector<4096x256xf32>
    %mul3A_21 = arith.mulf %sub3A_18, %mul3A_20 : vector<4096x256xf32>
    %sub3A_22 = arith.subf %add3A_9, %mul3A_21 : vector<4096x256xf32>
    %mul3A_23 = arith.constant -4.37113883E-8 : f32
    %mul3A_24 = vector.broadcast %mul3A_23 : f32 to vector<4096x256xf32>
    %mul3A_25 = arith.mulf %sub3A_18, %mul3A_24 : vector<4096x256xf32>
    %sub3A_26 = arith.subf %sub3A_22, %mul3A_25 : vector<4096x256xf32>
    %convert_element_type3A = arith.fptosi %sub3A_18 : vector<4096x256xf32> to vector<4096x256xi32>
    %add3A_27 = arith.addi %convert_element_type3A, %and3A_11 : vector<4096x256xi32>
    %mul3A_28 = arith.mulf %sub3A_26, %sub3A_26 : vector<4096x256xf32>
    %mul3A_29 = arith.mulf %sub3A_26, %mul3A_28 : vector<4096x256xf32>
    %mul3A_30 = arith.constant 0.00801876094 : f32
    %mul3A_31 = vector.broadcast %mul3A_30 : f32 to vector<4096x256xf32>
    %mul3A_32 = arith.mulf %mul3A_28, %mul3A_31 : vector<4096x256xf32>
    %add3A_33 = arith.constant -0.166583329 : f32
    %add3A_34 = vector.broadcast %add3A_33 : f32 to vector<4096x256xf32>
    %add3A_35 = arith.addf %add3A_34, %mul3A_32 : vector<4096x256xf32>
    %mul3A_36 = arith.mulf %mul3A_29, %add3A_35 : vector<4096x256xf32>
    %add3A_37 = arith.addf %sub3A_26, %mul3A_36 : vector<4096x256xf32>
    %mul3A_38 = arith.constant 0.0409059525 : f32
    %mul3A_39 = vector.broadcast %mul3A_38 : f32 to vector<4096x256xf32>
    %mul3A_40 = arith.mulf %mul3A_28, %mul3A_39 : vector<4096x256xf32>
    %add3A_41 = arith.constant -0.499857128 : f32
    %add3A_42 = vector.broadcast %add3A_41 : f32 to vector<4096x256xf32>
    %add3A_43 = arith.addf %add3A_42, %mul3A_40 : vector<4096x256xf32>
    %mul3A_44 = arith.mulf %mul3A_28, %add3A_43 : vector<4096x256xf32>
    %add3A_45 = arith.constant 1.000000e+00 : f32
    %add3A_46 = vector.broadcast %add3A_45 : f32 to vector<4096x256xf32>
    %add3A_47 = arith.addf %add3A_46, %mul3A_44 : vector<4096x256xf32>
    %and3A_48 = arith.constant 1 : i32
    %and3A_49 = vector.broadcast %and3A_48 : i32 to vector<4096x256xi32>
    %and3A_50 = arith.andi %add3A_27, %and3A_49 : vector<4096x256xi32>
    %eq3A = arith.constant 0 : i32
    %eq3A_51 = vector.broadcast %eq3A : i32 to vector<4096x256xi32>
    %eq3A_52 = arith.cmpi eq, %and3A_50, %eq3A_51 : vector<4096x256xi32>
    %select_n3A = arith.select %eq3A_52, %add3A_37, %add3A_47 : vector<4096x256xi1>, vector<4096x256xf32>
    %and3A_53 = arith.constant 2 : i32
    %and3A_54 = vector.broadcast %and3A_53 : i32 to vector<4096x256xi32>
    %and3A_55 = arith.andi %add3A_27, %and3A_54 : vector<4096x256xi32>
    %shift_left3A = arith.constant 30 : i32
    %shift_left3A_56 = vector.broadcast %shift_left3A : i32 to vector<4096x256xi32>
    %shift_left3A_57 = arith.shli %and3A_55, %shift_left3A_56 : vector<4096x256xi32>
    %bitcast_convert_type3A = tpu.bitcast %select_n3A : vector<4096x256xf32> -> vector<4096x256xi32>
    %xor3A = arith.xori %bitcast_convert_type3A, %shift_left3A_57 : vector<4096x256xi32>
    %bitcast_convert_type3A_58 = tpu.bitcast %xor3A : vector<4096x256xi32> -> vector<4096x256xf32>
    %broadcast_in_dim3A = arith.constant 0.000000e+00 : f32
    %broadcast_in_dim3A_59 = vector.broadcast %broadcast_in_dim3A : f32 to vector<4096x256xf32>
    %swap3A = arith.constant 0 : index
    %swap3A_60 = arith.constant 0 : index
    %swap3A_61 = arith.constant 0 : index
    %swap3A_62 = vector.load %arg5[%swap3A, %swap3A_60, %swap3A_61] : memref<1x4096x512xf32, #tpu.memory_space<vmem>>, vector<1x4096x256xf32>
    %swap3A_63 = vector.shape_cast %swap3A_62 : vector<1x4096x256xf32> to vector<4096x256xf32>
    %swap3A_64 = vector.shape_cast %broadcast_in_dim3A_59 : vector<4096x256xf32> to vector<1x4096x256xf32>
    tpu.vector_store %arg5[%swap3A, %swap3A_60, %swap3A_61], %swap3A_64 {strides = array<i32>} : memref<1x4096x512xf32, #tpu.memory_space<vmem>>, vector<1x4096x256xf32>,
    %get3A_65 = arith.constant 0 : index
    %get3A_66 = arith.constant 0 : index
    %get3A_67 = vector.load %arg4[%get3A_65, %get3A_66] : memref<4096x256xf32, #tpu.memory_space<vmem>>, vector<4096x256xf32>
    %add3A_68 = arith.addf %get3A_67, %bitcast_convert_type3A_58 : vector<4096x256xf32>
    %swap3A_69 = arith.constant 0 : index
    %swap3A_70 = arith.constant 0 : index
    %swap3A_71 = arith.constant 256 : index
    %swap3A_72 = vector.load %arg5[%swap3A_69, %swap3A_70, %swap3A_71] : memref<1x4096x512xf32, #tpu.memory_space<vmem>>, vector<1x4096x256xf32>
    %swap3A_73 = vector.shape_cast %swap3A_72 : vector<1x4096x256xf32> to vector<4096x256xf32>
    %swap3A_74 = vector.shape_cast %add3A_68 : vector<4096x256xf32> to vector<1x4096x256xf32>
    tpu.vector_store %arg5[%swap3A_69, %swap3A_70, %swap3A_71], %swap3A_74 {strides = array<i32>} : memref<1x4096x512xf32, #tpu.memory_space<vmem>>, vector<1x4096x256xf32>,
    return
  }
  func.func @transform_0(%arg0: i32) -> (i32, i32) {
    %c0_i32 = arith.constant 0 : i32
    %c0_i32_0 = arith.constant 0 : i32
    %c0_i32_1 = arith.constant 0 : i32
    return %c0_i32, %c0_i32_0 : i32, i32
  }
  func.func @transform_1(%arg0: i32) -> (i32, i32) {
    %c0_i32 = arith.constant 0 : i32
    %c0_i32_0 = arith.constant 0 : i32
    %c0_i32_1 = arith.constant 0 : i32
    return %c0_i32, %c0_i32_0 : i32, i32
  }
  func.func @transform_2(%arg0: i32) -> (i32, i32) {
    %c0_i32 = arith.constant 0 : i32
    %c0_i32_0 = arith.constant 0 : i32
    return %c0_i32, %arg0 : i32, i32
  }
  func.func @transform_3(%arg0: i32) -> (i32, i32) {
    %c0_i32 = arith.constant 0 : i32
    %c0_i32_0 = arith.constant 0 : i32
    return %arg0, %c0_i32 : i32, i32
  }
  func.func @transform_4(%arg0: i32) -> (i32, i32, i32) {
    %add3A = arith.constant 0 : i32
    %add3A_0 = arith.addi %arg0, %add3A : i32
    %c0_i32 = arith.constant 0 : i32
    %c0_i32_1 = arith.constant 0 : i32
    %c0_i32_2 = arith.constant 0 : i32
    return %c0_i32, %add3A_0, %c0_i32_1 : i32, i32, i32
  }
}

module attributes {stable_mosaic.version = 14 : i64} {
  func.func @body(%arg0: i32, %arg1: memref<3x256xf32, #tpu.memory_space<vmem>>, %arg2: memref<1x256xf32, #tpu.memory_space<vmem>>, %arg3: memref<3x4096xf32, #tpu.memory_space<vmem>>, %arg4: memref<4096x256xf32, #tpu.memory_space<vmem>>, %arg5: memref<1x16384x512xf32, #tpu.memory_space<any>>, %arg6: memref<1x4096x512xf32, #tpu.memory_space<vmem>>) attributes {dimension_semantics = [#tpu.dimension_semantics<arbitrary>], iteration_bounds = array<i64: 2>, scalar_prefetch = 0 : i64, scratch_operands = 0 : i64, tpu.core_type = #tpu.core_type<tc>, window_params = [{pipeline_mode = #tpu.pipeline_mode<synchronous>, transform_indices = @transform_0, window_bounds = array<i64: 3, 256>}, {pipeline_mode = #tpu.pipeline_mode<synchronous>, transform_indices = @transform_1, window_bounds = array<i64: 1, 256>}, {transform_indices = @transform_2, window_bounds = array<i64: 3, 4096>}, {transform_indices = @transform_3, window_bounds = array<i64: 4096, 256>}, {}, {transform_indices = @transform_5, window_bounds = array<i64: 1, 4096, 512>}]} {
    %get3A = arith.constant 0 : index
    %get3A_0 = arith.constant 0 : index
    %get3A_1 = vector.load %arg3[%get3A, %get3A_0] : memref<3x4096xf32, #tpu.memory_space<vmem>>, vector<3x4096xf32>
    %get3A_2 = arith.constant 0 : index
    %get3A_3 = arith.constant 0 : index
    %get3A_4 = vector.load %arg1[%get3A_2, %get3A_3] : memref<3x256xf32, #tpu.memory_space<vmem>>, vector<3x256xf32>
    %dot_general3A = arith.constant dense<0.000000e+00> : vector<4096x256xf32>
    %dot_general3A_5 = tpu.matmul %get3A_1, %get3A_4, %dot_general3A {dimension_numbers = #tpu.dot_dimension_numbers<[0], [0], [1], [1], [0, 1, 1, 1], [], []>, transpose_lhs_hint = false} : vector<3x4096xf32>, vector<3x256xf32>, vector<4096x256xf32> -> vector<4096x256xf32>
    %get3A_6 = arith.constant 0 : index
    %get3A_7 = arith.constant 0 : index
    %get3A_8 = vector.load %arg2[%get3A_6, %get3A_7] : memref<1x256xf32, #tpu.memory_space<vmem>>, vector<1x256xf32>
    %add3A = vector.broadcast %get3A_8 : vector<1x256xf32> to vector<4096x256xf32>
    %add3A_9 = arith.addf %dot_general3A_5, %add3A : vector<4096x256xf32>
    %iota3A = tpu.iota {dimensions = array<i32: 1>} : vector<4096x256xi32>
    %and3A = arith.constant 1 : i32
    %and3A_10 = vector.broadcast %and3A : i32 to vector<4096x256xi32>
    %and3A_11 = arith.andi %iota3A, %and3A_10 : vector<4096x256xi32>
    %mul3A = arith.constant 0.636619746 : f32
    %mul3A_12 = vector.broadcast %mul3A : f32 to vector<4096x256xf32>
    %mul3A_13 = arith.mulf %add3A_9, %mul3A_12 : vector<4096x256xf32>
    %add3A_14 = arith.constant 0x4B400000 : f32
    %add3A_15 = vector.broadcast %add3A_14 : f32 to vector<4096x256xf32>
    %add3A_16 = arith.addf %mul3A_13, %add3A_15 : vector<4096x256xf32>
    %sub3A = arith.constant 0x4B400000 : f32
    %sub3A_17 = vector.broadcast %sub3A : f32 to vector<4096x256xf32>
    %sub3A_18 = arith.subf %add3A_16, %sub3A_17 : vector<4096x256xf32>
    %mul3A_19 = arith.constant 1.57079637 : f32
    %mul3A_20 = vector.broadcast %mul3A_19 : f32 to vector<4096x256xf32>
    %mul3A_21 = arith.mulf %sub3A_18, %mul3A_20 : vector<4096x256xf32>
    %sub3A_22 = arith.subf %add3A_9, %mul3A_21 : vector<4096x256xf32>
    %mul3A_23 = arith.constant -4.37113883E-8 : f32
    %mul3A_24 = vector.broadcast %mul3A_23 : f32 to vector<4096x256xf32>
    %mul3A_25 = arith.mulf %sub3A_18, %mul3A_24 : vector<4096x256xf32>
    %sub3A_26 = arith.subf %sub3A_22, %mul3A_25 : vector<4096x256xf32>
    %convert_element_type3A = arith.fptosi %sub3A_18 : vector<4096x256xf32> to vector<4096x256xi32>
    %add3A_27 = arith.addi %convert_element_type3A, %and3A_11 : vector<4096x256xi32>
    %mul3A_28 = arith.mulf %sub3A_26, %sub3A_26 : vector<4096x256xf32>
    %mul3A_29 = arith.mulf %sub3A_26, %mul3A_28 : vector<4096x256xf32>
    %mul3A_30 = arith.constant 0.00801876094 : f32
    %mul3A_31 = vector.broadcast %mul3A_30 : f32 to vector<4096x256xf32>
    %mul3A_32 = arith.mulf %mul3A_28, %mul3A_31 : vector<4096x256xf32>
    %add3A_33 = arith.constant -0.166583329 : f32
    %add3A_34 = vector.broadcast %add3A_33 : f32 to vector<4096x256xf32>
    %add3A_35 = arith.addf %add3A_34, %mul3A_32 : vector<4096x256xf32>
    %mul3A_36 = arith.mulf %mul3A_29, %add3A_35 : vector<4096x256xf32>
    %add3A_37 = arith.addf %sub3A_26, %mul3A_36 : vector<4096x256xf32>
    %mul3A_38 = arith.constant 0.0409059525 : f32
    %mul3A_39 = vector.broadcast %mul3A_38 : f32 to vector<4096x256xf32>
    %mul3A_40 = arith.mulf %mul3A_28, %mul3A_39 : vector<4096x256xf32>
    %add3A_41 = arith.constant -0.499857128 : f32
    %add3A_42 = vector.broadcast %add3A_41 : f32 to vector<4096x256xf32>
    %add3A_43 = arith.addf %add3A_42, %mul3A_40 : vector<4096x256xf32>
    %mul3A_44 = arith.mulf %mul3A_28, %add3A_43 : vector<4096x256xf32>
    %add3A_45 = arith.constant 1.000000e+00 : f32
    %add3A_46 = vector.broadcast %add3A_45 : f32 to vector<4096x256xf32>
    %add3A_47 = arith.addf %add3A_46, %mul3A_44 : vector<4096x256xf32>
    %and3A_48 = arith.constant 1 : i32
    %and3A_49 = vector.broadcast %and3A_48 : i32 to vector<4096x256xi32>
    %and3A_50 = arith.andi %add3A_27, %and3A_49 : vector<4096x256xi32>
    %eq3A = arith.constant 0 : i32
    %eq3A_51 = vector.broadcast %eq3A : i32 to vector<4096x256xi32>
    %eq3A_52 = arith.cmpi eq, %and3A_50, %eq3A_51 : vector<4096x256xi32>
    %select_n3A = arith.select %eq3A_52, %add3A_37, %add3A_47 : vector<4096x256xi1>, vector<4096x256xf32>
    %and3A_53 = arith.constant 2 : i32
    %and3A_54 = vector.broadcast %and3A_53 : i32 to vector<4096x256xi32>
    %and3A_55 = arith.andi %add3A_27, %and3A_54 : vector<4096x256xi32>
    %shift_left3A = arith.constant 30 : i32
    %shift_left3A_56 = vector.broadcast %shift_left3A : i32 to vector<4096x256xi32>
    %shift_left3A_57 = arith.shli %and3A_55, %shift_left3A_56 : vector<4096x256xi32>
    %bitcast_convert_type3A = tpu.bitcast %select_n3A : vector<4096x256xf32> -> vector<4096x256xi32>
    %xor3A = arith.xori %bitcast_convert_type3A, %shift_left3A_57 : vector<4096x256xi32>
    %bitcast_convert_type3A_58 = tpu.bitcast %xor3A : vector<4096x256xi32> -> vector<4096x256xf32>
    %broadcast_in_dim3A = arith.constant 0.000000e+00 : f32
    %broadcast_in_dim3A_59 = vector.broadcast %broadcast_in_dim3A : f32 to vector<4096x256xf32>
    %swap3A = arith.constant 0 : index
    %swap3A_60 = arith.constant 0 : index
    %swap3A_61 = arith.constant 0 : index
    %swap3A_62 = vector.load %arg6[%swap3A, %swap3A_60, %swap3A_61] : memref<1x4096x512xf32, #tpu.memory_space<vmem>>, vector<1x4096x256xf32>
    %swap3A_63 = vector.shape_cast %swap3A_62 : vector<1x4096x256xf32> to vector<4096x256xf32>
    %swap3A_64 = vector.shape_cast %broadcast_in_dim3A_59 : vector<4096x256xf32> to vector<1x4096x256xf32>
    tpu.vector_store %arg6[%swap3A, %swap3A_60, %swap3A_61], %swap3A_64 {strides = array<i32>} : memref<1x4096x512xf32, #tpu.memory_space<vmem>>, vector<1x4096x256xf32>,
    %get3A_65 = arith.constant 0 : index
    %get3A_66 = arith.constant 0 : index
    %get3A_67 = vector.load %arg4[%get3A_65, %get3A_66] : memref<4096x256xf32, #tpu.memory_space<vmem>>, vector<4096x256xf32>
    %add3A_68 = arith.addf %get3A_67, %bitcast_convert_type3A_58 : vector<4096x256xf32>
    %swap3A_69 = arith.constant 0 : index
    %swap3A_70 = arith.constant 0 : index
    %swap3A_71 = arith.constant 256 : index
    %swap3A_72 = vector.load %arg6[%swap3A_69, %swap3A_70, %swap3A_71] : memref<1x4096x512xf32, #tpu.memory_space<vmem>>, vector<1x4096x256xf32>
    %swap3A_73 = vector.shape_cast %swap3A_72 : vector<1x4096x256xf32> to vector<4096x256xf32>
    %swap3A_74 = vector.shape_cast %add3A_68 : vector<4096x256xf32> to vector<1x4096x256xf32>
    tpu.vector_store %arg6[%swap3A_69, %swap3A_70, %swap3A_71], %swap3A_74 {strides = array<i32>} : memref<1x4096x512xf32, #tpu.memory_space<vmem>>, vector<1x4096x256xf32>,
    return
  }
  func.func @transform_0(%arg0: i32) -> (i32, i32) {
    %c0_i32 = arith.constant 0 : i32
    %c0_i32_0 = arith.constant 0 : i32
    %c0_i32_1 = arith.constant 0 : i32
    return %c0_i32, %c0_i32_0 : i32, i32
  }
  func.func @transform_1(%arg0: i32) -> (i32, i32) {
    %c0_i32 = arith.constant 0 : i32
    %c0_i32_0 = arith.constant 0 : i32
    %c0_i32_1 = arith.constant 0 : i32
    return %c0_i32, %c0_i32_0 : i32, i32
  }
  func.func @transform_2(%arg0: i32) -> (i32, i32) {
    %c0_i32 = arith.constant 0 : i32
    %c0_i32_0 = arith.constant 0 : i32
    return %c0_i32, %arg0 : i32, i32
  }
  func.func @transform_3(%arg0: i32) -> (i32, i32) {
    %c0_i32 = arith.constant 0 : i32
    %c0_i32_0 = arith.constant 0 : i32
    return %arg0, %c0_i32 : i32, i32
  }
  func.func @transform_5(%arg0: i32) -> (i32, i32, i32) {
    %add3A = arith.constant 2 : i32
    %add3A_0 = arith.addi %arg0, %add3A : i32
    %c0_i32 = arith.constant 0 : i32
    %c0_i32_1 = arith.constant 0 : i32
    %c0_i32_2 = arith.constant 0 : i32
    return %c0_i32, %add3A_0, %c0_i32_1 : i32, i32, i32
  }
}

</mosaic_0001>

<sc_bundles>
// kernel: kernel.6.cloned.1.call-start
scs
__scs_entry_jumppad:
0x0: {  	(pc) =	sbr.rel $0x88, $3  }
0x1: {  	(tag) =	ssettag $0x0;
	lr =	simm.s32 $0x1  }
0x2: {  	[smem:$0x3F9D] =	sst lr;
	_ =	strace $0xD0000000  }
0x3: {  	_ = 	snop  }
0x4: {  	_ = 	snop  }
0x5: {  	_ = 	snop  }
0x6: {  	_ = 	snop  }
0x7: {  	_ = 	snop  }
__scs_overlays_trampoline_lowered:
0x8: {  	[smem:$0x3FAC] =	sst s0  }
0x9: {  	[smem:$0x3FAD] =	sst s1  }
0xa: {  	[smem:$0x3FAE] =	sst s2  }
0xb: {  	[smem:$0x3FAF] =	sst s3  }
0xc: {  	[smem:$0x3FB0] =	sst s4  }
0xd: {  	[smem:$0x3FB1] =	sst s5  }
0xe: {  	[smem:$0x3FB2] =	sst s6  }
0xf: {  	[smem:$0x3FB3] =	sst s7  }
0x10: {  	[smem:$0x3FB4] =	sst s8  }
0x11: {  	[smem:$0x3FB5] =	sst s9;
	s0 =	simm.s32 @!p0 $0x0  }
0x12: {  	s1 =	sld [smem:$0x3F9B];
	s0 =	simm.s32 @p0 $0x1  }
0x13: {  	[smem:$0x3FB6] =	sst s0;
	s0 =	simm.s32 @!p1 $0x0  }
0x14: {  	s2 =	sld [smem:$0x3F9A];
	s0 =	simm.s32 @p1 $0x1  }
0x15: {  	[smem:$0x3FB7] =	sst s0;
	s0 =	simm.s32 @!p2 $0x0  }
0x16: {  	s3 =	sld [smem:$0x3FDB];
	s0 =	simm.s32 @p2 $0x1  }
0x17: {  	s4 =	simm.s32 $0x1BF5;
	[smem:$0x3FB9] =	sst s0  }
0x18: {  	s0 =	sld [smem:$0x3F9C];
	_ =	swait.ge [sflag:s4], $0x0  }
0x19: {  	s7 =	sld [smem:$0x3F9D]  }
0x1a: {  	s8 =	sadd.s32 $0xFFFFE003, lr  }
0x1b: {  	s9 =	sadd.s32 $0xFFFFFEF7, lr;
	s5 =	simm.s32 $0xFFFFFFFF;
	p2 =	slt.u32 s8, $0xFFFFF086  }
0x1c: {  	p1 =	slt.u32 s9, $0xF7A;
	s5 =	simm.s32 @!p2 $0x0  }
0x1d: {  	s5 =	simm.s32 @p1 $0x1;
	p0 =	seq.s32 s7, s2  }
0x1e: {  	s7 =	smul.u32 @!p0 $0xF7A, s2;
	p2 =	seq.s32 @!p0 s5, $0x0  }
0x1f: {  	s9 =	smul.u32 $0xF7A, s1;
	s8 =	simm.s32 @!p0 $0x1BF5;
	p2 =	por !p2, p0  }
0x20: {  	[sflag:s8] =	ssyncset.s32 @!p0 $0xFFFFF086;
	s6 =	sadd.s32 @!p0 s3, s7;
	s7 =	simm.s32 @!p0 $0x108  }
0x21: {  	s3 =	sadd.s32 s3, s9;
	s6 =	sadd.s32 @!p0 $0x88, s6;
	s7 =	simm.s32 @p2 $0x1082  }
0x22: {  	[simem:s7], [sflag:s8] =	dma.local @!p0 [hbm:s6], $0xF7A  }
0x23: {  	s9 =	sor.u32 $0xD0000000, s2;
	s6 =	simm.s32 $0x108;
	_ =	swait.ge @!p0 [sflag:s8], $0x0  }
0x24: {  	s3 =	sadd.s32 $0x88, s3;
	s6 =	simm.s32 @!p1 $0x1082;
	[sflag:s4] =	ssyncset.s32 $0xFFFFF086  }
0x25: {  	[simem:s6], [sflag:s4] =	dma.local [hbm:s3], $0xF7A  }
0x26: {  	[smem:$0x3F9D] =	sst s1;
	(tag) =	ssettag s2;
	_ =	strace s9  }
0x27: {  	s1 =	sld [smem:$0x3FAD]  }
0x28: {  	s2 =	sld [smem:$0x3FAE]  }
0x29: {  	s4 =	sld [smem:$0x3FB0]  }
0x2a: {  	p0 =	seq.s32 s5, $0x0;
	s5 =	sld [smem:$0x3FB1]  }
0x2b: {  	s6 =	sld [smem:$0x3FB2]  }
0x2c: {  	s7 =	sld [smem:$0x3FB3]  }
0x2d: {  	s3 =	simm.s32 $0x108;
	s8 =	sld [smem:$0x3FB4]  }
0x2e: {  	s3 =	simm.s32 @!p0 $0x1082;
	s9 =	sld [smem:$0x3FB5]  }
0x2f: {  	lr =	sadd.s32 s0, s3;
	s0 =	sld [smem:$0x3FAC]  }
0x30: {  	s3 =	sld [smem:$0x3FAF]  }
0x31: {  	[smem:$0x3FB8] =	sst s10  }
0x32: {  	s10 =	sld [smem:$0x3FB6];
	_ =	sdelay $0x3  }
0x33: {  	p0 =	seq.s32 s10, $0x1;
	s10 =	sld [smem:$0x3FB8];
	_ =	sdelay $0x3  }
0x34: {  	[smem:$0x3FB8] =	sst s10  }
0x35: {  	s10 =	sld [smem:$0x3FB7];
	_ =	sdelay $0x3  }
0x36: {  	p1 =	seq.s32 s10, $0x1;
	s10 =	sld [smem:$0x3FB8];
	_ =	sdelay $0x3  }
0x37: {  	[smem:$0x3FB8] =	sst s10  }
0x38: {  	s10 =	sld [smem:$0x3FB9]  }
0x39: {  	_ = 	snop;
	(pc) =	sbr.ind lr, $3  }
0x3a: {  	_ = 	snop  }
0x3b: {  	_ = 	snop  }
0x3c: {  	p2 =	seq.s32 s10, $0x1;
	s10 =	sld [smem:$0x3FB8]  }
0x3d: {  	_ =	shalt  }
0x3e: {  	_ =	shalt  }
0x3f: {  	_ =	shalt  }
0x40: {  	_ =	shalt  }
0x41: {  	_ =	shalt  }
0x42: {  	_ =	shalt  }
0x43: {  	_ =	shalt  }
0x44: {  	_ =	shalt  }
0x45: {  	_ =	shalt  }
0x46: {  	_ =	shalt  }
0x47: {  	_ =	shalt  }
0x48: {  	_ =	shalt  }
0x49: {  	_ =	shalt  }
0x4a: {  	_ =	shalt  }
0x4b: {  	_ =	shalt  }
0x4c: {  	_ =	shalt  }
0x4d: {  	_ =	shalt  }
0x4e: {  	_ =	shalt  }
0x4f: {  	_ =	shalt  }
0x50: {  	_ =	shalt  }
0x51: {  	_ =	shalt  }
0x52: {  	_ =	shalt  }
0x53: {  	_ =	shalt  }
0x54: {  	_ =	shalt  }
0x55: {  	_ =	shalt  }
0x56: {  	_ =	shalt  }
0x57: {  	_ =	shalt  }
0x58: {  	_ =	shalt  }
0x59: {  	_ =	shalt  }
0x5a: {  	_ =	shalt  }
0x5b: {  	_ =	shalt  }
0x5c: {  	_ =	shalt  }
0x5d: {  	_ =	shalt  }
0x5e: {  	_ =	shalt  }
0x5f: {  	_ =	shalt  }
0x60: {  	_ =	shalt  }
0x61: {  	_ =	shalt  }
0x62: {  	_ =	shalt  }
0x63: {  	_ =	shalt  }
0x64: {  	_ =	shalt  }
0x65: {  	_ =	shalt  }
0x66: {  	_ =	shalt  }
0x67: {  	_ =	shalt  }
0x68: {  	_ =	shalt  }
0x69: {  	_ =	shalt  }
0x6a: {  	_ =	shalt  }
0x6b: {  	_ =	shalt  }
0x6c: {  	_ =	shalt  }
0x6d: {  	_ =	shalt  }
0x6e: {  	_ =	shalt  }
0x6f: {  	_ =	shalt  }
0x70: {  	_ =	shalt  }
0x71: {  	_ =	shalt  }
0x72: {  	_ =	shalt  }
0x73: {  	_ =	shalt  }
0x74: {  	_ =	shalt  }
0x75: {  	_ =	shalt  }
0x76: {  	_ =	shalt  }
0x77: {  	_ =	shalt  }
0x78: {  	_ =	shalt  }
0x79: {  	_ =	shalt  }
0x7a: {  	_ =	shalt  }
0x7b: {  	_ =	shalt  }
0x7c: {  	_ =	shalt  }
0x7d: {  	_ =	shalt  }
0x7e: {  	_ =	shalt  }
0x7f: {  	_ =	shalt  }
0x80: {  	_ =	shalt  }
0x81: {  	_ =	shalt  }
0x82: {  	_ =	shalt  }
0x83: {  	_ =	shalt  }
0x84: {  	_ =	shalt  }
0x85: {  	_ =	shalt  }
0x86: {  	_ =	shalt  }
0x87: {  	_ =	shalt  }
.Lfunc_end0:
.L_simem_size_0:
called_computation_lowered:
.L_overlay_start_0:
0x88: {  	s2 =	sld [smem:$0x3FD9]  }
0x89: {  	s3 =	sld [smem:$0x3FFE];
	_ =	sdelay $0x1  }
0x8a: {  	s1 =	srdreg.scid  }
0x8b: {  	s0 =	sand.u32 $0x1, s1  }
0x8c: {  	s17 =	sshll.u32 s0, $0xA;
	s2 =	sadd.s32 s3, s2  }
0x8d: {  	s2 =	sadd.s32 s2, s17  }
0x8e: {  	[smem:$0x3FC4] =	sst s2  }
0x8f: {  	_ = 	snop  }
0x90: {  	s2 =	sld [smem:$0x3FC6]  }
0x91: {  	s18 =	sld [smem:$0x3FD0];
	(tm) =	ssettm $0x1  }
0x92: {  	s4 =	sld [smem:$0x3FFB];
	_ =	sdelay $0x3  }
0x93: {  	_ =	strace s4  }
0x94: {  	s4 =	sld [smem:$0x3FFC];
	_ =	sdelay $0x3  }
0x95: {  	_ =	strace s4  }
0x96: {  	s4 =	sld [smem:$0x3FFD];
	_ =	sdelay $0x3  }
0x97: {  	_ =	strace s4  }
0x98: {  	_ =	strace $0x8FFFFFFF  }
0x99: {  	s19 =	sld [smem:$0x3FDB];
	_ =	sdelay $0x1  }
0x9a: {  	s5 =	simm.s32 $_scs_section_size  }
0x9b: {  	s6 =	simm.s32 $_size__tile_overlayer_lowered;
	s7 =	simm.s32 $_tile_overlayer_lowered  }
0x9c: {  	s22 =	simm.s32 $0x1BFF;
	s21 =	sshll.u32 s7, $0x1;
	s4 =	sadd.s32 s5, s19  }
0x9d: {  	s8 =	simm.s32 $0x0;
	s20 =	sshll.u32 s6, $0x1;
	s6 =	sadd.s32 s21, s4  }
0x9e: {  	[timem:s8], [sflag:s22] =	dma.local [hbm:s6], s20  }
0x9f: {  	_ =	swait.ge [sflag:s22], s20  }
0xa0: {  	s5 =	ssub.s32 $0x0, s20;
	[sflag:s22] =	ssyncset.done $0x0  }
0xa1: {  	[sflag:s22] =	ssyncadd.s32 s5;
	_ =	sdelay $0x1  }
0xa2: {  	s23 =	simm.s32 $0x1B8B  }
0xa3: {  	_ =	swait.ge [sflag:s23], $0x1  }
0xa4: {  	[sflag:s23] =	ssyncset.done $0x0  }
0xa5: {  	s25 =	simm.s32 $0x1B8E;
	s24 =	sld [smem:$0x3FFE];
	[sflag:s23] =	ssyncadd.s32 $0xFFFFFFFF  }
0xa6: {  	s26 =	simm.s32 $execute0_lowered;
	[smem:$0x3FD2] =	sst s25  }
0xa7: {  	s6 =	sshll.u32 s26, $0x1;
	_ =	strace $0x80000046;
	[dreg:$0x1] =	wrdreg $0xFFFFFFFF  }
0xa8: {  	s28 =	simm.s32 $_size_execute0_lowered;
	s4 =	sadd.s32 s4, s6;
	[dreg:$0x0] =	wrdreg $0x0  }
0xa9: {  	s6 =	sshll.u32 s28, $0x1;
	[dreg:$0x2] =	wrdreg s4  }
0xaa: {  	[dreg:$0x3] =	wrdreg s6  }
0xab: {  	[dreg:$0x4] =	wrdreg $0xC0  }
0xac: {  	_ =	task [dreg:s8], $0x5FFFF  }
0xad: {  	[dreg:$0x1] =	wrdreg $0xFFFFFFFF  }
0xae: {  	[dreg:$0x0] =	wrdreg $0x60  }
0xaf: {  	[dreg:$0x2] =	wrdreg s24  }
0xb0: {  	[dreg:$0x3] =	wrdreg s2  }
0xb1: {  	[dreg:$0x4] =	wrdreg s18  }
0xb2: {  	[dreg:$0x5] =	wrdreg $0x9  }
0xb3: {  	_ =	task.clear_ibuf [dreg:s8], $0x6FFFF;
	_ =	strace $0x90000046  }
0xb4: {  	s29 =	simm.s32 $0x9;
	_ =	strace $0x80000048  }
0xb5: {  	_ =	swait.ge [sflag:s29], $0x1  }
0xb6: {  	[sflag:s29] =	ssyncadd.s32 $0xFFFFFFFF  }
0xb7: {  	_ =	strace $0x90000048  }
0xb8: {  	_ =	sfence  }
0xb9: {  	s30 =	sld [smem:$0x0];
	_ =	sdelay $0x2  }
0xba: {  	s31 =	sshll.u32 s1, $0xD;
	s1 =	sshrl.u32 s1, $0x2  }
0xbb: {  	s3 =	sand.u32 $0x4000, s31;
	s1 =	sadd.s32 s1, s30  }
0xbc: {  	s0 =	sor.u32 s3, s0;
	s1 =	sshll.u32 s1, $0x11  }
0xbd: {  	s0 =	sor.u32 s1, s0  }
0xbe: {  	s0 =	sadd.s32 $0x8F2B, s0  }
0xbf: {  	[sflag:s0] =	ssyncadd.remote.s32 $0x1  }
0xc0: {  	_ =	sfence.sel $0xFFFF  }
0xc1: {  	[dreg:$0x0] =	wrdreg $0xFFFFFFFF;
	(pc) =	sbr.abs _section_cstart, $3  }
0xc2: {  	[dreg:$0x1] =	wrdreg $0xFFFFFFFF  }
0xc3: {  	_ =	task.clear_ibuf [dreg:s8], $0x2FFFF;
	_ =	strace $0x9FFFFFFF  }
0xc4: {  	(tm) =	ssettm $0x7FFFFFFF  }
0xc5: {  	_ =	shalt  }
tec
execute0_lowered:
.L_overlay_start_1:
0x0: {  	(tag) =	ssettag $0x1  }
0x1: {  	s0 =	rddreg [dreg:$0x0]  }
0x2: {  	s2 =	rddreg [dreg:$0x1]  }
0x3: {  	s4 =	rddreg [dreg:$0x2]  }
0x4: {  	s3 =	srdreg.scid;
	s1 =	stileid.u32  }
0x5: {  	s15 =	simm.s32 $0x80;
	s5 =	sand.u32 $0x1, s3;
	s3 =	simm.s32 $0x0  }
0x6: {  	s16 =	simm.s32 $0x900;
	s17 =	simm.s32 $0x1100;
	[smem:$0x7FF] =	sst s3  }
0x7: {  	s18 =	simm.s32 $0x1900;
	_ =	strace $0x80000047;
	[dreg:$0x8] =	wrdreg s15  }
0x8: {  	s19 =	simm.s32 $0x2100;
	s20 =	simm.s32 $0x2900;
	[dreg:$0x9] =	wrdreg s16  }
0x9: {  	s22 =	simm.s32 $0x3100;
	s23 =	simm.s32 $0x3900;
	[dreg:$0xa] =	wrdreg s17  }
0xa: {  	s24 =	simm.s32 $0x4100;
	s25 =	simm.s32 $0x4900;
	[dreg:$0xb] =	wrdreg s18  }
0xb: {  	s26 =	simm.s32 $0x5100;
	s10 =	simm.s32 $0x7100;
	[dreg:$0xc] =	wrdreg s19  }
0xc: {  	s11 =	simm.s32 $0x7900;
	s28 =	simm.s32 $0xF900;
	[dreg:$0xd] =	wrdreg s20  }
0xd: {  	s29 =	simm.s32 $0x2;
	s30 =	simm.s32 $0x3;
	[dreg:$0xe] =	wrdreg s22  }
0xe: {  	s31 =	simm.s32 $0x4;
	s6 =	sshll.u32 s1, $0x9;
	[dreg:$0xf] =	wrdreg s23  }
0xf: {  	s0 =	sadd.s32 $0x1A00, s0;
	s7 =	sshll.u32 s5, $0x8;
	[dreg:$0x10] =	wrdreg s24  }
0x10: {  	s21 =	ssub.s32 $0x2, s5;
	s6 =	sor.u32 s7, s6;
	[dreg:$0x11] =	wrdreg s25  }
0x11: {  	s5 =	sshrl.u32 s21, $0x1;
	[dreg:$0x12] =	wrdreg s26;
	s15 =	simm.s32 $0x9900  }
0x12: {  	s16 =	simm.s32 $0xA100;
	s17 =	simm.s32 $0xA900;
	s18 =	simm.s32 $0xB100  }
0x13: {  	s19 =	simm.s32 $0xB900;
	s20 =	simm.s32 $0xC100;
	s22 =	simm.s32 $0xD100  }
0x14: {  	s23 =	simm.s32 $0xD900;
	s24 =	simm.s32 $0xE100;
	s25 =	simm.s32 $0xE900  }
0x15: {  	s26 =	simm.s32 $0xF100;
	s7 =	sshrl.u32 s6, $0x3;
	s8 =	sor.u32 $0x80, s6  }
0x16: {  	s6 =	sshll.u32 s6, $0x5;
	s7 =	sadd.s32 s0, s7;
	s9 =	sshrl.u32 s8, $0x3  }
0x17: {  	s12 =	sadd.s32 s4, s6;
	s13 =	sshll.u32 s8, $0x5;
	[dreg:$0x4] =	wrdreg s7  }
0x18: {  	s6 =	simm.s32 $0x100;
	s0 =	sadd.s32 s0, s9;
	[dreg:$0x6] =	wrdreg s12  }
0x19: {  	s14 =	sadd.s32 s4, s13;
	s4 =	ssub.s32 s21, s5;
	s5 =	simm.s32 $0x1  }
0x1a: {  	v2 =	vlaneseq.u32;
	s9 =	simm.s32 $0x6900;
	s12 =	simm.s32 $0x8100;
	[dreg:$0x5] =	wrdreg s0  }
0x1b: {  	vm0 =	vmmov $0xffff;
	v1 =	vshrl.u32 v2, $0x3;
	s13 =	simm.s32 $0x8900;
	s21 =	simm.s32 $0xC900;
	[dreg:$0x7] =	wrdreg s14  }
0x1c: {  	v0 =	vand.u32 $0x7, v2;
	v2 =	vor.u32 $0x8, v2;
	v1 =	vmul.u32 $0x8, v1;
	s4 =	smax.u32 s4, $0x1;
	s14 =	simm.s32 $0x9100;
	s0 =	simm.s32 $0x5  }
.LBB2_1:
0x1d: {  	s1 =	rddreg [dreg:$0x4]  }
0x1e: {  	s7 =	rddreg [dreg:$0x5]  }
0x1f: {  	[tilespmem:s3], [sflag:$0x1] =	stream.linear.gather [hbm4b:s1+s3], $0x80, $0x38;
	[tilespmem:$0x10100] =	vst v63  }
0x20: {  	s8 =	rddreg [dreg:$0x8]  }
0x21: {  	[tilespmem:s8], [sflag:$0x1] =	stream.linear.gather [hbm4b:s7+s3], $0x80, $0x38;
	[tilespmem:$0x10100] =	vst v63  }
0x22: {  	_ =	swait.ge [sflag:s5], $0x80  }
0x23: {  	[sflag:s5] =	ssyncset.done $0x0  }
0x24: {  	[sflag:s5] =	ssyncadd.s32 $0xFFFFFF80  }
0x25: {  	_ =	swait.ge [sflag:s5], $0x80  }
0x26: {  	[sflag:s5] =	ssyncset.done $0x0  }
0x27: {  	[sflag:s5] =	ssyncadd.s32 $0xFFFFFF80  }
0x28: {  	v3 =	vld [tilespmem:$0x0];
	_ =	sdelay $0x4  }
0x29: {  	v4 =	vshll.u32 v3, $0x1  }
0x2a: {  	v3 =	vand.u32 $0x7, v3;
	v4 =	vand.u32 $0xFFFFFFF0, v4  }
0x2b: {  	v3 =	vor.u32 v3, v4  }
0x2c: {  	v4 =	vperm.xlane v3, v0;
	_ =	sdelay $0x1  }
0x2d: {  	v3 =	vperm.xlane v3, v2;
	v4 =	vadd.s32 v1, v4;
	_ =	sdelay $0x1  }
0x2e: {  	v3 =	vadd.s32 v1, v3;
	_ =	sdelay $0x2  }
0x2f: {  	[tilespmem:s6], [sflag:$0x2] =	stream.indirect_vreg.gather [hbm4b:s2+s3], $0x80, v4, vm0, $0xb8;
	[tilespmem:$0x10100] =	vst v63  }
0x30: {  	s8 =	rddreg [dreg:$0x9]  }
0x31: {  	[tilespmem:s8], [sflag:$0x2] =	stream.indirect_vreg.gather [hbm4b:s2+s3], $0x80, v3, vm0, $0xb8;
	[tilespmem:$0x10100] =	vst v63  }
0x32: {  	v3 =	vld [tilespmem:$0x10];
	_ =	sdelay $0x4  }
0x33: {  	v49 =	vshll.u32 v3, $0x1  }
0x34: {  	v3 =	vand.u32 $0x7, v3;
	v4 =	vand.u32 $0xFFFFFFF0, v49  }
0x35: {  	v3 =	vor.u32 v3, v4  }
0x36: {  	v4 =	vperm.xlane v3, v0;
	_ =	sdelay $0x1  }
0x37: {  	v3 =	vperm.xlane v3, v2;
	v4 =	vadd.s32 v1, v4;
	_ =	sdelay $0x1  }
0x38: {  	v3 =	vadd.s32 v1, v3;
	_ =	sdelay $0x1  }
0x39: {  	s7 =	rddreg [dreg:$0xa]  }
0x3a: {  	[tilespmem:s7], [sflag:$0x2] =	stream.indirect_vreg.gather [hbm4b:s2+s3], $0x80, v4, vm0, $0xb8;
	[tilespmem:$0x10100] =	vst v63  }
0x3b: {  	s8 =	rddreg [dreg:$0xb]  }
0x3c: {  	[tilespmem:s8], [sflag:$0x2] =	stream.indirect_vreg.gather [hbm4b:s2+s3], $0x80, v3, vm0, $0xb8;
	[tilespmem:$0x10100] =	vst v63  }
0x3d: {  	v3 =	vld [tilespmem:$0x20];
	_ =	sdelay $0x4  }
0x3e: {  	v50 =	vshll.u32 v3, $0x1  }
0x3f: {  	v3 =	vand.u32 $0x7, v3;
	v4 =	vand.u32 $0xFFFFFFF0, v50  }
0x40: {  	v3 =	vor.u32 v3, v4  }
0x41: {  	v4 =	vperm.xlane v3, v0;
	_ =	sdelay $0x1  }
0x42: {  	v3 =	vperm.xlane v3, v2;
	v4 =	vadd.s32 v1, v4;
	_ =	sdelay $0x1  }
0x43: {  	v3 =	vadd.s32 v1, v3;
	_ =	sdelay $0x1  }
0x44: {  	s7 =	rddreg [dreg:$0xc]  }
0x45: {  	[tilespmem:s7], [sflag:$0x2] =	stream.indirect_vreg.gather [hbm4b:s2+s3], $0x80, v4, vm0, $0xb8;
	[tilespmem:$0x10100] =	vst v63  }
0x46: {  	s8 =	rddreg [dreg:$0xd]  }
0x47: {  	[tilespmem:s8], [sflag:$0x2] =	stream.indirect_vreg.gather [hbm4b:s2+s3], $0x80, v3, vm0, $0xb8;
	[tilespmem:$0x10100] =	vst v63  }
0x48: {  	v3 =	vld [tilespmem:$0x30];
	_ =	sdelay $0x4  }
0x49: {  	v51 =	vshll.u32 v3, $0x1  }
0x4a: {  	v3 =	vand.u32 $0x7, v3;
	v4 =	vand.u32 $0xFFFFFFF0, v51  }
0x4b: {  	v3 =	vor.u32 v3, v4  }
0x4c: {  	v4 =	vperm.xlane v3, v0;
	_ =	sdelay $0x1  }
0x4d: {  	v3 =	vperm.xlane v3, v2;
	v4 =	vadd.s32 v1, v4;
	_ =	sdelay $0x1  }
0x4e: {  	v3 =	vadd.s32 v1, v3;
	_ =	sdelay $0x1  }
0x4f: {  	s7 =	rddreg [dreg:$0xe]  }
0x50: {  	[tilespmem:s7], [sflag:$0x2] =	stream.indirect_vreg.gather [hbm4b:s2+s3], $0x80, v4, vm0, $0xb8;
	[tilespmem:$0x10100] =	vst v63  }
0x51: {  	s8 =	rddreg [dreg:$0xf]  }
0x52: {  	[tilespmem:s8], [sflag:$0x2] =	stream.indirect_vreg.gather [hbm4b:s2+s3], $0x80, v3, vm0, $0xb8;
	[tilespmem:$0x10100] =	vst v63  }
0x53: {  	v3 =	vld [tilespmem:$0x40];
	_ =	sdelay $0x4  }
0x54: {  	v52 =	vshll.u32 v3, $0x1  }
0x55: {  	v3 =	vand.u32 $0x7, v3;
	v4 =	vand.u32 $0xFFFFFFF0, v52  }
0x56: {  	v3 =	vor.u32 v3, v4  }
0x57: {  	v4 =	vperm.xlane v3, v0;
	_ =	sdelay $0x1  }
0x58: {  	v3 =	vperm.xlane v3, v2;
	v4 =	vadd.s32 v1, v4;
	_ =	sdelay $0x1  }
0x59: {  	v3 =	vadd.s32 v1, v3;
	_ =	sdelay $0x1  }
0x5a: {  	s7 =	rddreg [dreg:$0x10]  }
0x5b: {  	[tilespmem:s7], [sflag:$0x2] =	stream.indirect_vreg.gather [hbm4b:s2+s3], $0x80, v4, vm0, $0xb8;
	[tilespmem:$0x10100] =	vst v63  }
0x5c: {  	s8 =	rddreg [dreg:$0x11]  }
0x5d: {  	[tilespmem:s8], [sflag:$0x2] =	stream.indirect_vreg.gather [hbm4b:s2+s3], $0x80, v3, vm0, $0xb8;
	[tilespmem:$0x10100] =	vst v63  }
0x5e: {  	v3 =	vld [tilespmem:$0x50];
	_ =	sdelay $0x4  }
0x5f: {  	v53 =	vshll.u32 v3, $0x1  }
0x60: {  	v3 =	vand.u32 $0x7, v3;
	v4 =	vand.u32 $0xFFFFFFF0, v53  }
0x61: {  	v3 =	vor.u32 v3, v4  }
0x62: {  	v4 =	vperm.xlane v3, v0;
	_ =	sdelay $0x1  }
0x63: {  	v3 =	vperm.xlane v3, v2;
	v4 =	vadd.s32 v1, v4;
	_ =	sdelay $0x1  }
0x64: {  	v3 =	vadd.s32 v1, v3;
	_ =	sdelay $0x1  }
0x65: {  	s8 =	rddreg [dreg:$0x12]  }
0x66: {  	[tilespmem:s8], [sflag:$0x2] =	stream.indirect_vreg.gather [hbm4b:s2+s3], $0x80, v4, vm0, $0xb8;
	[tilespmem:$0x10100] =	vst v63  }
0x67: {  	s7 =	simm.s32 $0x5900  }
0x68: {  	[tilespmem:s7], [sflag:$0x2] =	stream.indirect_vreg.gather [hbm4b:s2+s3], $0x80, v3, vm0, $0xb8;
	[tilespmem:$0x10100] =	vst v63  }
0x69: {  	v3 =	vld [tilespmem:$0x60];
	_ =	sdelay $0x4  }
0x6a: {  	v54 =	vshll.u32 v3, $0x1  }
0x6b: {  	v3 =	vand.u32 $0x7, v3;
	v4 =	vand.u32 $0xFFFFFFF0, v54  }
0x6c: {  	v3 =	vor.u32 v3, v4  }
0x6d: {  	v4 =	vperm.xlane v3, v0;
	_ =	sdelay $0x1  }
0x6e: {  	v3 =	vperm.xlane v3, v2;
	v4 =	vadd.s32 v1, v4;
	_ =	sdelay $0x1  }
0x6f: {  	v3 =	vadd.s32 v1, v3;
	_ =	sdelay $0x1  }
0x70: {  	s8 =	simm.s32 $0x6100  }
0x71: {  	[tilespmem:s8], [sflag:$0x2] =	stream.indirect_vreg.gather [hbm4b:s2+s3], $0x80, v4, vm0, $0xb8;
	[tilespmem:$0x10100] =	vst v63  }
0x72: {  	_ = 	snop  }
0x73: {  	[tilespmem:s9], [sflag:$0x2] =	stream.indirect_vreg.gather [hbm4b:s2+s3], $0x80, v3, vm0, $0xb8;
	[tilespmem:$0x10100] =	vst v63  }
0x74: {  	v3 =	vld [tilespmem:$0x70];
	_ =	sdelay $0x4  }
0x75: {  	v55 =	vshll.u32 v3, $0x1  }
0x76: {  	v3 =	vand.u32 $0x7, v3;
	v4 =	vand.u32 $0xFFFFFFF0, v55  }
0x77: {  	v3 =	vor.u32 v3, v4  }
0x78: {  	v4 =	vperm.xlane v3, v0;
	_ =	sdelay $0x1  }
0x79: {  	v3 =	vperm.xlane v3, v2;
	v4 =	vadd.s32 v1, v4;
	_ =	sdelay $0x1  }
0x7a: {  	v3 =	vadd.s32 v1, v3;
	_ =	sdelay $0x2  }
0x7b: {  	[tilespmem:s10], [sflag:$0x2] =	stream.indirect_vreg.gather [hbm4b:s2+s3], $0x80, v4, vm0, $0xb8;
	[tilespmem:$0x10100] =	vst v63  }
0x7c: {  	_ = 	snop  }
0x7d: {  	[tilespmem:s11], [sflag:$0x2] =	stream.indirect_vreg.gather [hbm4b:s2+s3], $0x80, v3, vm0, $0xb8;
	[tilespmem:$0x10100] =	vst v63  }
0x7e: {  	v3 =	vld [tilespmem:$0x80];
	_ =	sdelay $0x4  }
0x7f: {  	v56 =	vshll.u32 v3, $0x1  }
0x80: {  	v3 =	vand.u32 $0x7, v3;
	v4 =	vand.u32 $0xFFFFFFF0, v56  }
0x81: {  	v3 =	vor.u32 v3, v4  }
0x82: {  	v4 =	vperm.xlane v3, v0;
	_ =	sdelay $0x1  }
0x83: {  	v3 =	vperm.xlane v3, v2;
	v4 =	vadd.s32 v1, v4;
	_ =	sdelay $0x1  }
0x84: {  	v3 =	vadd.s32 v1, v3;
	_ =	sdelay $0x2  }
0x85: {  	[tilespmem:s12], [sflag:$0x3] =	stream.indirect_vreg.gather [hbm4b:s2+s3], $0x80, v4, vm0, $0xb8;
	[tilespmem:$0x10100] =	vst v63  }
0x86: {  	_ = 	snop  }
0x87: {  	[tilespmem:s13], [sflag:$0x3] =	stream.indirect_vreg.gather [hbm4b:s2+s3], $0x80, v3, vm0, $0xb8;
	[tilespmem:$0x10100] =	vst v63  }
0x88: {  	v3 =	vld [tilespmem:$0x90];
	_ =	sdelay $0x4  }
0x89: {  	v57 =	vshll.u32 v3, $0x1  }
0x8a: {  	v3 =	vand.u32 $0x7, v3;
	v4 =	vand.u32 $0xFFFFFFF0, v57  }
0x8b: {  	v3 =	vor.u32 v3, v4  }
0x8c: {  	v4 =	vperm.xlane v3, v0;
	_ =	sdelay $0x1  }
0x8d: {  	v3 =	vperm.xlane v3, v2;
	v4 =	vadd.s32 v1, v4;
	_ =	sdelay $0x1  }
0x8e: {  	v3 =	vadd.s32 v1, v3;
	_ =	sdelay $0x2  }
0x8f: {  	[tilespmem:s14], [sflag:$0x3] =	stream.indirect_vreg.gather [hbm4b:s2+s3], $0x80, v4, vm0, $0xb8;
	[tilespmem:$0x10100] =	vst v63  }
0x90: {  	_ = 	snop  }
0x91: {  	[tilespmem:s15], [sflag:$0x3] =	stream.indirect_vreg.gather [hbm4b:s2+s3], $0x80, v3, vm0, $0xb8;
	[tilespmem:$0x10100] =	vst v63  }
0x92: {  	v3 =	vld [tilespmem:$0xA0];
	_ =	sdelay $0x4  }
0x93: {  	v58 =	vshll.u32 v3, $0x1  }
0x94: {  	v3 =	vand.u32 $0x7, v3;
	v4 =	vand.u32 $0xFFFFFFF0, v58  }
0x95: {  	v3 =	vor.u32 v3, v4  }
0x96: {  	v4 =	vperm.xlane v3, v0;
	_ =	sdelay $0x1  }
0x97: {  	v3 =	vperm.xlane v3, v2;
	v4 =	vadd.s32 v1, v4;
	_ =	sdelay $0x1  }
0x98: {  	v3 =	vadd.s32 v1, v3;
	_ =	sdelay $0x2  }
0x99: {  	[tilespmem:s16], [sflag:$0x3] =	stream.indirect_vreg.gather [hbm4b:s2+s3], $0x80, v4, vm0, $0xb8;
	[tilespmem:$0x10100] =	vst v63  }
0x9a: {  	_ = 	snop  }
0x9b: {  	[tilespmem:s17], [sflag:$0x3] =	stream.indirect_vreg.gather [hbm4b:s2+s3], $0x80, v3, vm0, $0xb8;
	[tilespmem:$0x10100] =	vst v63  }
0x9c: {  	v3 =	vld [tilespmem:$0xB0];
	_ =	sdelay $0x4  }
0x9d: {  	v59 =	vshll.u32 v3, $0x1  }
0x9e: {  	v3 =	vand.u32 $0x7, v3;
	v4 =	vand.u32 $0xFFFFFFF0, v59  }
0x9f: {  	v3 =	vor.u32 v3, v4  }
0xa0: {  	v4 =	vperm.xlane v3, v0;
	_ =	sdelay $0x1  }
0xa1: {  	v3 =	vperm.xlane v3, v2;
	v4 =	vadd.s32 v1, v4;
	_ =	sdelay $0x1  }
0xa2: {  	v3 =	vadd.s32 v1, v3;
	_ =	sdelay $0x2  }
0xa3: {  	[tilespmem:s18], [sflag:$0x3] =	stream.indirect_vreg.gather [hbm4b:s2+s3], $0x80, v4, vm0, $0xb8;
	[tilespmem:$0x10100] =	vst v63  }
0xa4: {  	_ = 	snop  }
0xa5: {  	[tilespmem:s19], [sflag:$0x3] =	stream.indirect_vreg.gather [hbm4b:s2+s3], $0x80, v3, vm0, $0xb8;
	[tilespmem:$0x10100] =	vst v63  }
0xa6: {  	v3 =	vld [tilespmem:$0xC0];
	_ =	sdelay $0x4  }
0xa7: {  	v60 =	vshll.u32 v3, $0x1  }
0xa8: {  	v3 =	vand.u32 $0x7, v3;
	v4 =	vand.u32 $0xFFFFFFF0, v60  }
0xa9: {  	v3 =	vor.u32 v3, v4  }
0xaa: {  	v4 =	vperm.xlane v3, v0;
	_ =	sdelay $0x1  }
0xab: {  	v3 =	vperm.xlane v3, v2;
	v4 =	vadd.s32 v1, v4;
	_ =	sdelay $0x1  }
0xac: {  	v3 =	vadd.s32 v1, v3;
	_ =	sdelay $0x2  }
0xad: {  	[tilespmem:s20], [sflag:$0x3] =	stream.indirect_vreg.gather [hbm4b:s2+s3], $0x80, v4, vm0, $0xb8;
	[tilespmem:$0x10100] =	vst v63  }
0xae: {  	_ = 	snop  }
0xaf: {  	[tilespmem:s21], [sflag:$0x3] =	stream.indirect_vreg.gather [hbm4b:s2+s3], $0x80, v3, vm0, $0xb8;
	[tilespmem:$0x10100] =	vst v63  }
0xb0: {  	v3 =	vld [tilespmem:$0xD0];
	_ =	sdelay $0x4  }
0xb1: {  	v61 =	vshll.u32 v3, $0x1  }
0xb2: {  	v3 =	vand.u32 $0x7, v3;
	v4 =	vand.u32 $0xFFFFFFF0, v61  }
0xb3: {  	v3 =	vor.u32 v3, v4  }
0xb4: {  	v4 =	vperm.xlane v3, v0;
	_ =	sdelay $0x1  }
0xb5: {  	v3 =	vperm.xlane v3, v2;
	v4 =	vadd.s32 v1, v4;
	_ =	sdelay $0x1  }
0xb6: {  	v3 =	vadd.s32 v1, v3;
	_ =	sdelay $0x2  }
0xb7: {  	[tilespmem:s22], [sflag:$0x3] =	stream.indirect_vreg.gather [hbm4b:s2+s3], $0x80, v4, vm0, $0xb8;
	[tilespmem:$0x10100] =	vst v63  }
0xb8: {  	_ = 	snop  }
0xb9: {  	[tilespmem:s23], [sflag:$0x3] =	stream.indirect_vreg.gather [hbm4b:s2+s3], $0x80, v3, vm0, $0xb8;
	[tilespmem:$0x10100] =	vst v63  }
0xba: {  	v3 =	vld [tilespmem:$0xE0];
	_ =	sdelay $0x4  }
0xbb: {  	v62 =	vshll.u32 v3, $0x1  }
0xbc: {  	v3 =	vand.u32 $0x7, v3;
	v4 =	vand.u32 $0xFFFFFFF0, v62  }
0xbd: {  	v3 =	vor.u32 v3, v4  }
0xbe: {  	v4 =	vperm.xlane v3, v0;
	_ =	sdelay $0x1  }
0xbf: {  	v3 =	vperm.xlane v3, v2;
	v4 =	vadd.s32 v1, v4;
	_ =	sdelay $0x1  }
0xc0: {  	v3 =	vadd.s32 v1, v3;
	_ =	sdelay $0x2  }
0xc1: {  	[tilespmem:s24], [sflag:$0x3] =	stream.indirect_vreg.gather [hbm4b:s2+s3], $0x80, v4, vm0, $0xb8;
	[tilespmem:$0x10100] =	vst v63  }
0xc2: {  	_ = 	snop  }
0xc3: {  	[tilespmem:s25], [sflag:$0x3] =	stream.indirect_vreg.gather [hbm4b:s2+s3], $0x80, v3, vm0, $0xb8;
	[tilespmem:$0x10100] =	vst v63  }
0xc4: {  	v3 =	vld [tilespmem:$0xF0];
	_ =	sdelay $0x4  }
0xc5: {  	v63 =	vshll.u32 v3, $0x1  }
0xc6: {  	v3 =	vand.u32 $0x7, v3;
	v4 =	vand.u32 $0xFFFFFFF0, v63  }
0xc7: {  	v3 =	vor.u32 v3, v4  }
0xc8: {  	v4 =	vperm.xlane v3, v0;
	_ =	sdelay $0x1  }
0xc9: {  	v3 =	vperm.xlane v3, v2;
	v4 =	vadd.s32 v1, v4;
	_ =	sdelay $0x1  }
0xca: {  	v3 =	vadd.s32 v1, v3;
	_ =	sdelay $0x2  }
0xcb: {  	[tilespmem:s26], [sflag:$0x3] =	stream.indirect_vreg.gather [hbm4b:s2+s3], $0x80, v4, vm0, $0xb8;
	[tilespmem:$0x10100] =	vst v63  }
0xcc: {  	_ = 	snop  }
0xcd: {  	[tilespmem:s28], [sflag:$0x3] =	stream.indirect_vreg.gather [hbm4b:s2+s3], $0x80, v3, vm0, $0xb8;
	[tilespmem:$0x10100] =	vst v63  }
0xce: {  	_ =	swait.ge [sflag:s29], $0x8000  }
0xcf: {  	[sflag:s29] =	ssyncset.done $0x0  }
0xd0: {  	s7 =	rddreg [dreg:$0x6];
	[sflag:s29] =	ssyncadd.s32 $0xFFFF8000  }
0xd1: {  	[hbm4b:s7+s3] =	stream.linear.scatter [tilespmem:s6], [sflag:$0x4], $0x8000, $0x38;
	[tilespmem:$0x10100] =	vst v63  }
0xd2: {  	_ =	swait.ge [sflag:s30], $0x8000  }
0xd3: {  	[sflag:s30] =	ssyncset.done $0x0  }
0xd4: {  	s8 =	rddreg [dreg:$0x7];
	[sflag:s30] =	ssyncadd.s32 $0xFFFF8000  }
0xd5: {  	[hbm4b:s8+s3] =	stream.linear.scatter [tilespmem:s12], [sflag:$0x5], $0x8000, $0x38;
	[tilespmem:$0x10100] =	vst v63  }
0xd6: {  	p0 =	sne.s32 s4, $0x1;
	_ =	swait.ge [sflag:s31], $0x8000  }
.Ltmp0:
0xd7: {  	[sflag:s31] =	ssyncset.done $0x0;
	(pc) =	sbr.rel @p0 .LBB2_1-.Ltmp0, $4  }
0xd8: {  	[sflag:s31] =	ssyncadd.s32 $0xFFFF8000  }
0xd9: {  	_ =	swait.ge [sflag:s0], $0x8000  }
0xda: {  	[sflag:s0] =	ssyncset.done $0x0  }
0xdb: {  	s4 =	sadd.s32 $0xFFFFFFFF, s4;
	[sflag:s0] =	ssyncadd.s32 $0xFFFF8000  }
0xdc: {  	_ =	sfence.sel $0x180000  }
0xdd: {  	[bflag:$0x0] =	sbarrier.arrive $0xFFFF  }
0xde: {  	_ =	strace $0x90000047  }
0xdf: {  	s0 =	stileid.u32;
	[bflag:$0x2] =	sbarrier.arrive $0xFFFF  }
0xe0: {  	p0 =	sne.s32 s0, $0x0;
	s0 =	rddreg [dreg:$0x3]  }
0xe1: {  	s0 =	sadd.s32 @!p0 $0x100000, s0  }
0xe2: {  	[sflag:s0] =	ssyncadd.tile.s32 @!p0 $0x1;
	_ =	shalt  }
.Lfunc_end2:
_tile_overlayer_lowered:
.L_overlay_start_2:
0xe3: {  	(tag) =	ssettag $0x2  }
0xe4: {  	s0 =	rddreg [dreg:$0x0];
	s2 =	stileid.u32  }
0xe5: {  	s1 =	rddreg [dreg:$0x1];
	p0 =	sne.s32 s2, $0x0  }
0xe6: {  	s3 =	rddreg [dreg:$0x2];
	[bflag:$0x3] =	sbarrier.arrive $0xFFFF;
	s2 =	simm.s32 @!p0 $0x1C06  }
0xe7: {  	[timem:s3], [sflag:s2] =	dma.local @!p0 [hbm:s0], s1  }
0xe8: {  	s0 =	simm.s32 @!p0 $0x6  }
0xe9: {  	_ =	swait.ge @!p0 [sflag:s0], s1  }
0xea: {  	s1 =	ssub.s32 @!p0 $0x0, s1;
	[sflag:s0] =	ssyncset.done @!p0 $0x0  }
0xeb: {  	[sflag:s0] =	ssyncadd.s32 @!p0 s1  }
0xec: {  	[bflag:$0x3] =	sbarrier.arrive $0xFFFF  }
0xed: {  	_ =	shalt  }

// kernel: kernel.9.cloned.1.call-start
scs
__scs_entry_jumppad:
0x0: {  	(pc) =	sbr.rel $0x88, $3  }
0x1: {  	(tag) =	ssettag $0x0;
	lr =	simm.s32 $0x1  }
0x2: {  	[smem:$0x3F9D] =	sst lr;
	_ =	strace $0xD0000000  }
0x3: {  	_ = 	snop  }
0x4: {  	_ = 	snop  }
0x5: {  	_ = 	snop  }
0x6: {  	_ = 	snop  }
0x7: {  	_ = 	snop  }
__scs_overlays_trampoline_lowered:
0x8: {  	[smem:$0x3FAC] =	sst s0  }
0x9: {  	[smem:$0x3FAD] =	sst s1  }
0xa: {  	[smem:$0x3FAE] =	sst s2  }
0xb: {  	[smem:$0x3FAF] =	sst s3  }
0xc: {  	[smem:$0x3FB0] =	sst s4  }
0xd: {  	[smem:$0x3FB1] =	sst s5  }
0xe: {  	[smem:$0x3FB2] =	sst s6  }
0xf: {  	[smem:$0x3FB3] =	sst s7  }
0x10: {  	[smem:$0x3FB4] =	sst s8  }
0x11: {  	[smem:$0x3FB5] =	sst s9;
	s0 =	simm.s32 @!p0 $0x0  }
0x12: {  	s1 =	sld [smem:$0x3F9B];
	s0 =	simm.s32 @p0 $0x1  }
0x13: {  	[smem:$0x3FB6] =	sst s0;
	s0 =	simm.s32 @!p1 $0x0  }
0x14: {  	s2 =	sld [smem:$0x3F9A];
	s0 =	simm.s32 @p1 $0x1  }
0x15: {  	[smem:$0x3FB7] =	sst s0;
	s0 =	simm.s32 @!p2 $0x0  }
0x16: {  	s3 =	sld [smem:$0x3FDB];
	s0 =	simm.s32 @p2 $0x1  }
0x17: {  	s4 =	simm.s32 $0x1BF5;
	[smem:$0x3FB9] =	sst s0  }
0x18: {  	s0 =	sld [smem:$0x3F9C];
	_ =	swait.ge [sflag:s4], $0x0  }
0x19: {  	s7 =	sld [smem:$0x3F9D]  }
0x1a: {  	s8 =	sadd.s32 $0xFFFFE003, lr  }
0x1b: {  	s9 =	sadd.s32 $0xFFFFFEF7, lr;
	s5 =	simm.s32 $0xFFFFFFFF;
	p2 =	slt.u32 s8, $0xFFFFF086  }
0x1c: {  	p1 =	slt.u32 s9, $0xF7A;
	s5 =	simm.s32 @!p2 $0x0  }
0x1d: {  	s5 =	simm.s32 @p1 $0x1;
	p0 =	seq.s32 s7, s2  }
0x1e: {  	s7 =	smul.u32 @!p0 $0xF7A, s2;
	p2 =	seq.s32 @!p0 s5, $0x0  }
0x1f: {  	s9 =	smul.u32 $0xF7A, s1;
	s8 =	simm.s32 @!p0 $0x1BF5;
	p2 =	por !p2, p0  }
0x20: {  	[sflag:s8] =	ssyncset.s32 @!p0 $0xFFFFF086;
	s6 =	sadd.s32 @!p0 s3, s7;
	s7 =	simm.s32 @!p0 $0x108  }
0x21: {  	s3 =	sadd.s32 s3, s9;
	s6 =	sadd.s32 @!p0 $0x88, s6;
	s7 =	simm.s32 @p2 $0x1082  }
0x22: {  	[simem:s7], [sflag:s8] =	dma.local @!p0 [hbm:s6], $0xF7A  }
0x23: {  	s9 =	sor.u32 $0xD0000000, s2;
	s6 =	simm.s32 $0x108;
	_ =	swait.ge @!p0 [sflag:s8], $0x0  }
0x24: {  	s3 =	sadd.s32 $0x88, s3;
	s6 =	simm.s32 @!p1 $0x1082;
	[sflag:s4] =	ssyncset.s32 $0xFFFFF086  }
0x25: {  	[simem:s6], [sflag:s4] =	dma.local [hbm:s3], $0xF7A  }
0x26: {  	[smem:$0x3F9D] =	sst s1;
	(tag) =	ssettag s2;
	_ =	strace s9  }
0x27: {  	s1 =	sld [smem:$0x3FAD]  }
0x28: {  	s2 =	sld [smem:$0x3FAE]  }
0x29: {  	s4 =	sld [smem:$0x3FB0]  }
0x2a: {  	p0 =	seq.s32 s5, $0x0;
	s5 =	sld [smem:$0x3FB1]  }
0x2b: {  	s6 =	sld [smem:$0x3FB2]  }
0x2c: {  	s7 =	sld [smem:$0x3FB3]  }
0x2d: {  	s3 =	simm.s32 $0x108;
	s8 =	sld [smem:$0x3FB4]  }
0x2e: {  	s3 =	simm.s32 @!p0 $0x1082;
	s9 =	sld [smem:$0x3FB5]  }
0x2f: {  	lr =	sadd.s32 s0, s3;
	s0 =	sld [smem:$0x3FAC]  }
0x30: {  	s3 =	sld [smem:$0x3FAF]  }
0x31: {  	[smem:$0x3FB8] =	sst s10  }
0x32: {  	s10 =	sld [smem:$0x3FB6];
	_ =	sdelay $0x3  }
0x33: {  	p0 =	seq.s32 s10, $0x1;
	s10 =	sld [smem:$0x3FB8];
	_ =	sdelay $0x3  }
0x34: {  	[smem:$0x3FB8] =	sst s10  }
0x35: {  	s10 =	sld [smem:$0x3FB7];
	_ =	sdelay $0x3  }
0x36: {  	p1 =	seq.s32 s10, $0x1;
	s10 =	sld [smem:$0x3FB8];
	_ =	sdelay $0x3  }
0x37: {  	[smem:$0x3FB8] =	sst s10  }
0x38: {  	s10 =	sld [smem:$0x3FB9]  }
0x39: {  	_ = 	snop;
	(pc) =	sbr.ind lr, $3  }
0x3a: {  	_ = 	snop  }
0x3b: {  	_ = 	snop  }
0x3c: {  	p2 =	seq.s32 s10, $0x1;
	s10 =	sld [smem:$0x3FB8]  }
0x3d: {  	_ =	shalt  }
0x3e: {  	_ =	shalt  }
0x3f: {  	_ =	shalt  }
0x40: {  	_ =	shalt  }
0x41: {  	_ =	shalt  }
0x42: {  	_ =	shalt  }
0x43: {  	_ =	shalt  }
0x44: {  	_ =	shalt  }
0x45: {  	_ =	shalt  }
0x46: {  	_ =	shalt  }
0x47: {  	_ =	shalt  }
0x48: {  	_ =	shalt  }
0x49: {  	_ =	shalt  }
0x4a: {  	_ =	shalt  }
0x4b: {  	_ =	shalt  }
0x4c: {  	_ =	shalt  }
0x4d: {  	_ =	shalt  }
0x4e: {  	_ =	shalt  }
0x4f: {  	_ =	shalt  }
0x50: {  	_ =	shalt  }
0x51: {  	_ =	shalt  }
0x52: {  	_ =	shalt  }
0x53: {  	_ =	shalt  }
0x54: {  	_ =	shalt  }
0x55: {  	_ =	shalt  }
0x56: {  	_ =	shalt  }
0x57: {  	_ =	shalt  }
0x58: {  	_ =	shalt  }
0x59: {  	_ =	shalt  }
0x5a: {  	_ =	shalt  }
0x5b: {  	_ =	shalt  }
0x5c: {  	_ =	shalt  }
0x5d: {  	_ =	shalt  }
0x5e: {  	_ =	shalt  }
0x5f: {  	_ =	shalt  }
0x60: {  	_ =	shalt  }
0x61: {  	_ =	shalt  }
0x62: {  	_ =	shalt  }
0x63: {  	_ =	shalt  }
0x64: {  	_ =	shalt  }
0x65: {  	_ =	shalt  }
0x66: {  	_ =	shalt  }
0x67: {  	_ =	shalt  }
0x68: {  	_ =	shalt  }
0x69: {  	_ =	shalt  }
0x6a: {  	_ =	shalt  }
0x6b: {  	_ =	shalt  }
0x6c: {  	_ =	shalt  }
0x6d: {  	_ =	shalt  }
0x6e: {  	_ =	shalt  }
0x6f: {  	_ =	shalt  }
0x70: {  	_ =	shalt  }
0x71: {  	_ =	shalt  }
0x72: {  	_ =	shalt  }
0x73: {  	_ =	shalt  }
0x74: {  	_ =	shalt  }
0x75: {  	_ =	shalt  }
0x76: {  	_ =	shalt  }
0x77: {  	_ =	shalt  }
0x78: {  	_ =	shalt  }
0x79: {  	_ =	shalt  }
0x7a: {  	_ =	shalt  }
0x7b: {  	_ =	shalt  }
0x7c: {  	_ =	shalt  }
0x7d: {  	_ =	shalt  }
0x7e: {  	_ =	shalt  }
0x7f: {  	_ =	shalt  }
0x80: {  	_ =	shalt  }
0x81: {  	_ =	shalt  }
0x82: {  	_ =	shalt  }
0x83: {  	_ =	shalt  }
0x84: {  	_ =	shalt  }
0x85: {  	_ =	shalt  }
0x86: {  	_ =	shalt  }
0x87: {  	_ =	shalt  }
.Lfunc_end0:
.L_simem_size_0:
called_computation.1_lowered:
.L_overlay_start_0:
0x88: {  	s2 =	sld [smem:$0x3FD9]  }
0x89: {  	s3 =	sld [smem:$0x3FFE];
	_ =	sdelay $0x1  }
0x8a: {  	s1 =	srdreg.scid  }
0x8b: {  	s0 =	sand.u32 $0x1, s1  }
0x8c: {  	s17 =	sshll.u32 s0, $0xA;
	s2 =	sadd.s32 s3, s2  }
0x8d: {  	s2 =	sadd.s32 s2, s17  }
0x8e: {  	[smem:$0x3FC4] =	sst s2  }
0x8f: {  	_ = 	snop  }
0x90: {  	s18 =	sld [smem:$0x3FC6];
	(tm) =	ssettm $0x1  }
0x91: {  	s19 =	sld [smem:$0x3FFB];
	_ =	sdelay $0x3  }
0x92: {  	_ =	strace s19  }
0x93: {  	s2 =	sld [smem:$0x3FFC];
	_ =	sdelay $0x3  }
0x94: {  	_ =	strace s2  }
0x95: {  	s2 =	sld [smem:$0x3FFD];
	_ =	sdelay $0x3  }
0x96: {  	_ =	strace s2  }
0x97: {  	_ =	strace $0x8FFFFFFF  }
0x98: {  	s20 =	sld [smem:$0x3FDB];
	_ =	sdelay $0x1  }
0x99: {  	s4 =	simm.s32 $_scs_section_size  }
0x9a: {  	s5 =	simm.s32 $_size__tile_overlayer_lowered;
	s6 =	simm.s32 $_tile_overlayer_lowered  }
0x9b: {  	s7 =	simm.s32 $0x1BFF;
	s21 =	sshll.u32 s6, $0x1;
	s4 =	sadd.s32 s4, s20  }
0x9c: {  	s22 =	simm.s32 $0x0;
	s5 =	sshll.u32 s5, $0x1;
	s6 =	sadd.s32 s21, s4  }
0x9d: {  	[timem:s22], [sflag:s7] =	dma.local [hbm:s6], s5  }
0x9e: {  	_ =	swait.ge [sflag:s7], s5  }
0x9f: {  	s5 =	ssub.s32 $0x0, s5;
	[sflag:s7] =	ssyncset.done $0x0  }
0xa0: {  	[sflag:s7] =	ssyncadd.s32 s5;
	_ =	sdelay $0x1  }
0xa1: {  	s23 =	simm.s32 $0x1B8B  }
0xa2: {  	_ =	swait.ge [sflag:s23], $0x1  }
0xa3: {  	[sflag:s23] =	ssyncset.done $0x0  }
0xa4: {  	[sflag:s23] =	ssyncadd.s32 $0xFFFFFFFF  }
0xa5: {  	s5 =	sld [smem:$0x0]  }
0xa6: {  	s6 =	sand.u32 $0xFFFFFFFE, s1  }
0xa7: {  	p0 =	sne.s32 s1, s6  }
0xa8: {  	s6 =	sshll.u32 @p0 s6, $0xE  }
0xa9: {  	s6 =	sadd.s32 @p0 $0x11B8D, s6;
	s7 =	sshll.u32 @p0 s5, $0x11  }
0xaa: {  	s6 =	sor.u32 @p0 s7, s6  }
0xab: {  	[sflag:s6] =	ssyncadd.remote.s32 @p0 $0x1;
	_ =	sdelay $0x1  }
0xac: {  	s6 =	simm.s32 @p0 $0x1B8D  }
0xad: {  	_ =	swait.eq @p0 [sflag:s6], $0x1  }
0xae: {  	[sflag:s6] =	ssyncadd.s32 @p0 $0xFFFFFFFF  }
0xaf: {  	s7 =	sshll.u32 @!p0 s1, $0xE  }
0xb0: {  	s7 =	sor.u32 @!p0 $0x4000, s7;
	s6 =	simm.s32 @!p0 $0x1B8D  }
0xb1: {  	s5 =	sshll.u32 @!p0 s5, $0x11;
	s7 =	sadd.s32 @!p0 $0x11B8D, s7;
	_ =	swait.eq @!p0 [sflag:s6], $0x1  }
0xb2: {  	s5 =	sor.u32 @!p0 s5, s7;
	[sflag:s6] =	ssyncadd.s32 @!p0 $0xFFFFFFFF  }
0xb3: {  	s25 =	simm.s32 $0x1B8E;
	s24 =	sld [smem:$0x3FFE];
	[sflag:s5] =	ssyncadd.remote.s32 @!p0 $0x1  }
0xb4: {  	s26 =	simm.s32 $execute0_lowered;
	[smem:$0x3FD2] =	sst s25  }
0xb5: {  	s6 =	sshll.u32 s26, $0x1;
	_ =	strace $0x80000049;
	[dreg:$0x1] =	wrdreg $0xFFFFFFFF  }
0xb6: {  	s28 =	simm.s32 $_size_execute0_lowered;
	s4 =	sadd.s32 s4, s6;
	[dreg:$0x0] =	wrdreg $0x0  }
0xb7: {  	s6 =	sshll.u32 s28, $0x1;
	[dreg:$0x2] =	wrdreg s4  }
0xb8: {  	[dreg:$0x3] =	wrdreg s6  }
0xb9: {  	[dreg:$0x4] =	wrdreg $0xC0  }
0xba: {  	_ =	task [dreg:s22], $0x5FFFF  }
0xbb: {  	[dreg:$0x1] =	wrdreg $0xFFFFFFFF  }
0xbc: {  	[dreg:$0x0] =	wrdreg $0x60  }
0xbd: {  	[dreg:$0x2] =	wrdreg s24  }
0xbe: {  	[dreg:$0x3] =	wrdreg s18  }
0xbf: {  	[dreg:$0x4] =	wrdreg $0xA  }
0xc0: {  	_ =	task.clear_ibuf [dreg:s22], $0x5FFFF;
	_ =	strace $0x90000049  }
0xc1: {  	s29 =	simm.s32 $0xA;
	_ =	strace $0x8000004B  }
0xc2: {  	_ =	swait.ge [sflag:s29], $0x1  }
0xc3: {  	[sflag:s29] =	ssyncadd.s32 $0xFFFFFFFF  }
0xc4: {  	_ =	strace $0x9000004B  }
0xc5: {  	_ =	sfence  }
0xc6: {  	s30 =	sld [smem:$0x0];
	_ =	sdelay $0x2  }
0xc7: {  	s31 =	sshll.u32 s1, $0xD;
	s1 =	sshrl.u32 s1, $0x2  }
0xc8: {  	s4 =	sand.u32 $0x4000, s31;
	s1 =	sadd.s32 s1, s30  }
0xc9: {  	s0 =	sor.u32 s4, s0;
	s1 =	sshll.u32 s1, $0x11  }
0xca: {  	s0 =	sor.u32 s1, s0  }
0xcb: {  	s0 =	sadd.s32 $0x8F2B, s0  }
0xcc: {  	[sflag:s0] =	ssyncadd.remote.s32 $0x1  }
0xcd: {  	_ =	sfence.sel $0xFFFF  }
0xce: {  	[dreg:$0x0] =	wrdreg $0xFFFFFFFF;
	(pc) =	sbr.abs _section_cstart, $3  }
0xcf: {  	[dreg:$0x1] =	wrdreg $0xFFFFFFFF  }
0xd0: {  	_ =	task.clear_ibuf [dreg:s22], $0x2FFFF;
	_ =	strace $0x9FFFFFFF  }
0xd1: {  	(tm) =	ssettm $0x7FFFFFFF  }
tec
execute0_lowered:
.L_overlay_start_1:
0x0: {  	(tag) =	ssettag $0x1  }
0x1: {  	s0 =	rddreg [dreg:$0x0]  }
0x2: {  	s2 =	rddreg [dreg:$0x1]  }
0x3: {  	s4 =	srdreg.scid;
	s3 =	simm.s32 $0x0;
	s1 =	stileid.u32  }
0x4: {  	s15 =	simm.s32 $0x80;
	s16 =	simm.s32 $0x900;
	s17 =	simm.s32 $0x1100  }
0x5: {  	s18 =	simm.s32 $0x1900;
	s19 =	simm.s32 $0x2100;
	[smem:$0x7FF] =	sst s3  }
0x6: {  	s20 =	simm.s32 $0x2900;
	_ =	strace $0x8000004A;
	[dreg:$0x7] =	wrdreg s15  }
0x7: {  	s21 =	simm.s32 $0x3100;
	s23 =	simm.s32 $0x3900;
	[dreg:$0x8] =	wrdreg s16  }
0x8: {  	s24 =	simm.s32 $0x4100;
	s25 =	simm.s32 $0x4900;
	[dreg:$0x9] =	wrdreg s17  }
0x9: {  	s26 =	simm.s32 $0x5100;
	s10 =	simm.s32 $0x7100;
	[dreg:$0xa] =	wrdreg s18  }
0xa: {  	s11 =	simm.s32 $0x7900;
	s12 =	simm.s32 $0x8100;
	[dreg:$0xb] =	wrdreg s19  }
0xb: {  	s28 =	simm.s32 $0xF900;
	s29 =	simm.s32 $0x2;
	[dreg:$0xc] =	wrdreg s20  }
0xc: {  	s30 =	simm.s32 $0x3;
	s31 =	simm.s32 $0x4;
	[dreg:$0xd] =	wrdreg s21  }
0xd: {  	s4 =	sand.u32 $0x1, s4;
	s5 =	sshll.u32 s1, $0x9;
	[dreg:$0xe] =	wrdreg s23  }
0xe: {  	s13 =	sadd.s32 $0x1E00, s0;
	s0 =	sadd.s32 $0x2200, s0;
	[dreg:$0xf] =	wrdreg s24  }
0xf: {  	s6 =	sshll.u32 s4, $0x8;
	s4 =	ssub.s32 $0x2, s4;
	[dreg:$0x10] =	wrdreg s25  }
0x10: {  	[dreg:$0x11] =	wrdreg s26;
	s15 =	simm.s32 $0x9900;
	s16 =	simm.s32 $0xA100  }
0x11: {  	s17 =	simm.s32 $0xA900;
	s18 =	simm.s32 $0xB100;
	s19 =	simm.s32 $0xB900  }
0x12: {  	s20 =	simm.s32 $0xC100;
	s21 =	simm.s32 $0xC900;
	s23 =	simm.s32 $0xD900  }
0x13: {  	s24 =	simm.s32 $0xE100;
	s25 =	simm.s32 $0xE900;
	s5 =	sor.u32 s6, s5  }
0x14: {  	s26 =	simm.s32 $0xF100;
	s22 =	sshrl.u32 s4, $0x1;
	s7 =	sshrl.u32 s5, $0x3  }
0x15: {  	s8 =	sor.u32 $0x80, s5;
	s5 =	sshll.u32 s5, $0x5;
	s4 =	ssub.s32 s4, s22  }
0x16: {  	s22 =	simm.s32 $0xD100;
	s7 =	sadd.s32 s13, s7;
	s9 =	sshrl.u32 s8, $0x3  }
0x17: {  	s5 =	sadd.s32 s0, s5;
	s14 =	sshll.u32 s8, $0x5;
	[dreg:$0x3] =	wrdreg s7  }
0x18: {  	s4 =	smax.u32 s4, $0x1;
	s6 =	sadd.s32 s13, s9;
	[dreg:$0x5] =	wrdreg s5  }
0x19: {  	v2 =	vlaneseq.u32;
	s0 =	sadd.s32 s0, s14;
	s5 =	simm.s32 $0x1;
	s9 =	simm.s32 $0x6900  }
0x1a: {  	vm0 =	vmmov $0xffff;
	v1 =	vshrl.u32 v2, $0x3;
	s13 =	simm.s32 $0x8900;
	s14 =	simm.s32 $0x9100;
	[dreg:$0x4] =	wrdreg s6  }
0x1b: {  	v0 =	vand.u32 $0x7, v2;
	v2 =	vor.u32 $0x8, v2;
	v1 =	vmul.u32 $0x8, v1;
	[dreg:$0x6] =	wrdreg s0;
	s6 =	simm.s32 $0x100;
	s0 =	simm.s32 $0x5  }
.LBB2_1:
0x1c: {  	s1 =	rddreg [dreg:$0x3]  }
0x1d: {  	s7 =	rddreg [dreg:$0x4]  }
0x1e: {  	[tilespmem:s3], [sflag:$0x1] =	stream.linear.gather [hbm4b:s1+s3], $0x80, $0x38;
	[tilespmem:$0x10100] =	vst v63  }
0x1f: {  	s8 =	rddreg [dreg:$0x7]  }
0x20: {  	[tilespmem:s8], [sflag:$0x1] =	stream.linear.gather [hbm4b:s7+s3], $0x80, $0x38;
	[tilespmem:$0x10100] =	vst v63  }
0x21: {  	_ =	swait.ge [sflag:s5], $0x80  }
0x22: {  	[sflag:s5] =	ssyncset.done $0x0  }
0x23: {  	[sflag:s5] =	ssyncadd.s32 $0xFFFFFF80  }
0x24: {  	_ =	swait.ge [sflag:s5], $0x80  }
0x25: {  	[sflag:s5] =	ssyncset.done $0x0  }
0x26: {  	[sflag:s5] =	ssyncadd.s32 $0xFFFFFF80  }
0x27: {  	v3 =	vld [tilespmem:$0x0];
	_ =	sdelay $0x4  }
0x28: {  	v4 =	vshll.u32 v3, $0x1  }
0x29: {  	v3 =	vand.u32 $0x7, v3;
	v4 =	vand.u32 $0xFFFFFFF0, v4  }
0x2a: {  	v3 =	vor.u32 v3, v4  }
0x2b: {  	v4 =	vperm.xlane v3, v0;
	_ =	sdelay $0x1  }
0x2c: {  	v3 =	vperm.xlane v3, v2;
	v4 =	vadd.s32 v1, v4;
	_ =	sdelay $0x1  }
0x2d: {  	v3 =	vadd.s32 v1, v3;
	_ =	sdelay $0x2  }
0x2e: {  	[tilespmem:s6], [sflag:$0x2] =	stream.indirect_vreg.gather [hbm4b:s2+s3], $0x80, v4, vm0, $0xb8;
	[tilespmem:$0x10100] =	vst v63  }
0x2f: {  	s8 =	rddreg [dreg:$0x8]  }
0x30: {  	[tilespmem:s8], [sflag:$0x2] =	stream.indirect_vreg.gather [hbm4b:s2+s3], $0x80, v3, vm0, $0xb8;
	[tilespmem:$0x10100] =	vst v63  }
0x31: {  	v3 =	vld [tilespmem:$0x10];
	_ =	sdelay $0x4  }
0x32: {  	v49 =	vshll.u32 v3, $0x1  }
0x33: {  	v3 =	vand.u32 $0x7, v3;
	v4 =	vand.u32 $0xFFFFFFF0, v49  }
0x34: {  	v3 =	vor.u32 v3, v4  }
0x35: {  	v4 =	vperm.xlane v3, v0;
	_ =	sdelay $0x1  }
0x36: {  	v3 =	vperm.xlane v3, v2;
	v4 =	vadd.s32 v1, v4;
	_ =	sdelay $0x1  }
0x37: {  	v3 =	vadd.s32 v1, v3;
	_ =	sdelay $0x1  }
0x38: {  	s7 =	rddreg [dreg:$0x9]  }
0x39: {  	[tilespmem:s7], [sflag:$0x2] =	stream.indirect_vreg.gather [hbm4b:s2+s3], $0x80, v4, vm0, $0xb8;
	[tilespmem:$0x10100] =	vst v63  }
0x3a: {  	s8 =	rddreg [dreg:$0xa]  }
0x3b: {  	[tilespmem:s8], [sflag:$0x2] =	stream.indirect_vreg.gather [hbm4b:s2+s3], $0x80, v3, vm0, $0xb8;
	[tilespmem:$0x10100] =	vst v63  }
0x3c: {  	v3 =	vld [tilespmem:$0x20];
	_ =	sdelay $0x4  }
0x3d: {  	v50 =	vshll.u32 v3, $0x1  }
0x3e: {  	v3 =	vand.u32 $0x7, v3;
	v4 =	vand.u32 $0xFFFFFFF0, v50  }
0x3f: {  	v3 =	vor.u32 v3, v4  }
0x40: {  	v4 =	vperm.xlane v3, v0;
	_ =	sdelay $0x1  }
0x41: {  	v3 =	vperm.xlane v3, v2;
	v4 =	vadd.s32 v1, v4;
	_ =	sdelay $0x1  }
0x42: {  	v3 =	vadd.s32 v1, v3;
	_ =	sdelay $0x1  }
0x43: {  	s7 =	rddreg [dreg:$0xb]  }
0x44: {  	[tilespmem:s7], [sflag:$0x2] =	stream.indirect_vreg.gather [hbm4b:s2+s3], $0x80, v4, vm0, $0xb8;
	[tilespmem:$0x10100] =	vst v63  }
0x45: {  	s8 =	rddreg [dreg:$0xc]  }
0x46: {  	[tilespmem:s8], [sflag:$0x2] =	stream.indirect_vreg.gather [hbm4b:s2+s3], $0x80, v3, vm0, $0xb8;
	[tilespmem:$0x10100] =	vst v63  }
0x47: {  	v3 =	vld [tilespmem:$0x30];
	_ =	sdelay $0x4  }
0x48: {  	v51 =	vshll.u32 v3, $0x1  }
0x49: {  	v3 =	vand.u32 $0x7, v3;
	v4 =	vand.u32 $0xFFFFFFF0, v51  }
0x4a: {  	v3 =	vor.u32 v3, v4  }
0x4b: {  	v4 =	vperm.xlane v3, v0;
	_ =	sdelay $0x1  }
0x4c: {  	v3 =	vperm.xlane v3, v2;
	v4 =	vadd.s32 v1, v4;
	_ =	sdelay $0x1  }
0x4d: {  	v3 =	vadd.s32 v1, v3;
	_ =	sdelay $0x1  }
0x4e: {  	s7 =	rddreg [dreg:$0xd]  }
0x4f: {  	[tilespmem:s7], [sflag:$0x2] =	stream.indirect_vreg.gather [hbm4b:s2+s3], $0x80, v4, vm0, $0xb8;
	[tilespmem:$0x10100] =	vst v63  }
0x50: {  	s8 =	rddreg [dreg:$0xe]  }
0x51: {  	[tilespmem:s8], [sflag:$0x2] =	stream.indirect_vreg.gather [hbm4b:s2+s3], $0x80, v3, vm0, $0xb8;
	[tilespmem:$0x10100] =	vst v63  }
0x52: {  	v3 =	vld [tilespmem:$0x40];
	_ =	sdelay $0x4  }
0x53: {  	v52 =	vshll.u32 v3, $0x1  }
0x54: {  	v3 =	vand.u32 $0x7, v3;
	v4 =	vand.u32 $0xFFFFFFF0, v52  }
0x55: {  	v3 =	vor.u32 v3, v4  }
0x56: {  	v4 =	vperm.xlane v3, v0;
	_ =	sdelay $0x1  }
0x57: {  	v3 =	vperm.xlane v3, v2;
	v4 =	vadd.s32 v1, v4;
	_ =	sdelay $0x1  }
0x58: {  	v3 =	vadd.s32 v1, v3;
	_ =	sdelay $0x1  }
0x59: {  	s7 =	rddreg [dreg:$0xf]  }
0x5a: {  	[tilespmem:s7], [sflag:$0x2] =	stream.indirect_vreg.gather [hbm4b:s2+s3], $0x80, v4, vm0, $0xb8;
	[tilespmem:$0x10100] =	vst v63  }
0x5b: {  	s8 =	rddreg [dreg:$0x10]  }
0x5c: {  	[tilespmem:s8], [sflag:$0x2] =	stream.indirect_vreg.gather [hbm4b:s2+s3], $0x80, v3, vm0, $0xb8;
	[tilespmem:$0x10100] =	vst v63  }
0x5d: {  	v3 =	vld [tilespmem:$0x50];
	_ =	sdelay $0x4  }
0x5e: {  	v53 =	vshll.u32 v3, $0x1  }
0x5f: {  	v3 =	vand.u32 $0x7, v3;
	v4 =	vand.u32 $0xFFFFFFF0, v53  }
0x60: {  	v3 =	vor.u32 v3, v4  }
0x61: {  	v4 =	vperm.xlane v3, v0;
	_ =	sdelay $0x1  }
0x62: {  	v3 =	vperm.xlane v3, v2;
	v4 =	vadd.s32 v1, v4;
	_ =	sdelay $0x1  }
0x63: {  	v3 =	vadd.s32 v1, v3;
	_ =	sdelay $0x1  }
0x64: {  	s8 =	rddreg [dreg:$0x11]  }
0x65: {  	[tilespmem:s8], [sflag:$0x2] =	stream.indirect_vreg.gather [hbm4b:s2+s3], $0x80, v4, vm0, $0xb8;
	[tilespmem:$0x10100] =	vst v63  }
0x66: {  	s7 =	simm.s32 $0x5900  }
0x67: {  	[tilespmem:s7], [sflag:$0x2] =	stream.indirect_vreg.gather [hbm4b:s2+s3], $0x80, v3, vm0, $0xb8;
	[tilespmem:$0x10100] =	vst v63  }
0x68: {  	v3 =	vld [tilespmem:$0x60];
	_ =	sdelay $0x4  }
0x69: {  	v54 =	vshll.u32 v3, $0x1  }
0x6a: {  	v3 =	vand.u32 $0x7, v3;
	v4 =	vand.u32 $0xFFFFFFF0, v54  }
0x6b: {  	v3 =	vor.u32 v3, v4  }
0x6c: {  	v4 =	vperm.xlane v3, v0;
	_ =	sdelay $0x1  }
0x6d: {  	v3 =	vperm.xlane v3, v2;
	v4 =	vadd.s32 v1, v4;
	_ =	sdelay $0x1  }
0x6e: {  	v3 =	vadd.s32 v1, v3;
	_ =	sdelay $0x1  }
0x6f: {  	s8 =	simm.s32 $0x6100  }
0x70: {  	[tilespmem:s8], [sflag:$0x2] =	stream.indirect_vreg.gather [hbm4b:s2+s3], $0x80, v4, vm0, $0xb8;
	[tilespmem:$0x10100] =	vst v63  }
0x71: {  	_ = 	snop  }
0x72: {  	[tilespmem:s9], [sflag:$0x2] =	stream.indirect_vreg.gather [hbm4b:s2+s3], $0x80, v3, vm0, $0xb8;
	[tilespmem:$0x10100] =	vst v63  }
0x73: {  	v3 =	vld [tilespmem:$0x70];
	_ =	sdelay $0x4  }
0x74: {  	v55 =	vshll.u32 v3, $0x1  }
0x75: {  	v3 =	vand.u32 $0x7, v3;
	v4 =	vand.u32 $0xFFFFFFF0, v55  }
0x76: {  	v3 =	vor.u32 v3, v4  }
0x77: {  	v4 =	vperm.xlane v3, v0;
	_ =	sdelay $0x1  }
0x78: {  	v3 =	vperm.xlane v3, v2;
	v4 =	vadd.s32 v1, v4;
	_ =	sdelay $0x1  }
0x79: {  	v3 =	vadd.s32 v1, v3;
	_ =	sdelay $0x2  }
0x7a: {  	[tilespmem:s10], [sflag:$0x2] =	stream.indirect_vreg.gather [hbm4b:s2+s3], $0x80, v4, vm0, $0xb8;
	[tilespmem:$0x10100] =	vst v63  }
0x7b: {  	_ = 	snop  }
0x7c: {  	[tilespmem:s11], [sflag:$0x2] =	stream.indirect_vreg.gather [hbm4b:s2+s3], $0x80, v3, vm0, $0xb8;
	[tilespmem:$0x10100] =	vst v63  }
0x7d: {  	v3 =	vld [tilespmem:$0x80];
	_ =	sdelay $0x4  }
0x7e: {  	v56 =	vshll.u32 v3, $0x1  }
0x7f: {  	v3 =	vand.u32 $0x7, v3;
	v4 =	vand.u32 $0xFFFFFFF0, v56  }
0x80: {  	v3 =	vor.u32 v3, v4  }
0x81: {  	v4 =	vperm.xlane v3, v0;
	_ =	sdelay $0x1  }
0x82: {  	v3 =	vperm.xlane v3, v2;
	v4 =	vadd.s32 v1, v4;
	_ =	sdelay $0x1  }
0x83: {  	v3 =	vadd.s32 v1, v3;
	_ =	sdelay $0x2  }
0x84: {  	[tilespmem:s12], [sflag:$0x3] =	stream.indirect_vreg.gather [hbm4b:s2+s3], $0x80, v4, vm0, $0xb8;
	[tilespmem:$0x10100] =	vst v63  }
0x85: {  	_ = 	snop  }
0x86: {  	[tilespmem:s13], [sflag:$0x3] =	stream.indirect_vreg.gather [hbm4b:s2+s3], $0x80, v3, vm0, $0xb8;
	[tilespmem:$0x10100] =	vst v63  }
0x87: {  	v3 =	vld [tilespmem:$0x90];
	_ =	sdelay $0x4  }
0x88: {  	v57 =	vshll.u32 v3, $0x1  }
0x89: {  	v3 =	vand.u32 $0x7, v3;
	v4 =	vand.u32 $0xFFFFFFF0, v57  }
0x8a: {  	v3 =	vor.u32 v3, v4  }
0x8b: {  	v4 =	vperm.xlane v3, v0;
	_ =	sdelay $0x1  }
0x8c: {  	v3 =	vperm.xlane v3, v2;
	v4 =	vadd.s32 v1, v4;
	_ =	sdelay $0x1  }
0x8d: {  	v3 =	vadd.s32 v1, v3;
	_ =	sdelay $0x2  }
0x8e: {  	[tilespmem:s14], [sflag:$0x3] =	stream.indirect_vreg.gather [hbm4b:s2+s3], $0x80, v4, vm0, $0xb8;
	[tilespmem:$0x10100] =	vst v63  }
0x8f: {  	_ = 	snop  }
0x90: {  	[tilespmem:s15], [sflag:$0x3] =	stream.indirect_vreg.gather [hbm4b:s2+s3], $0x80, v3, vm0, $0xb8;
	[tilespmem:$0x10100] =	vst v63  }
0x91: {  	v3 =	vld [tilespmem:$0xA0];
	_ =	sdelay $0x4  }
0x92: {  	v58 =	vshll.u32 v3, $0x1  }
0x93: {  	v3 =	vand.u32 $0x7, v3;
	v4 =	vand.u32 $0xFFFFFFF0, v58  }
0x94: {  	v3 =	vor.u32 v3, v4  }
0x95: {  	v4 =	vperm.xlane v3, v0;
	_ =	sdelay $0x1  }
0x96: {  	v3 =	vperm.xlane v3, v2;
	v4 =	vadd.s32 v1, v4;
	_ =	sdelay $0x1  }
0x97: {  	v3 =	vadd.s32 v1, v3;
	_ =	sdelay $0x2  }
0x98: {  	[tilespmem:s16], [sflag:$0x3] =	stream.indirect_vreg.gather [hbm4b:s2+s3], $0x80, v4, vm0, $0xb8;
	[tilespmem:$0x10100] =	vst v63  }
0x99: {  	_ = 	snop  }
0x9a: {  	[tilespmem:s17], [sflag:$0x3] =	stream.indirect_vreg.gather [hbm4b:s2+s3], $0x80, v3, vm0, $0xb8;
	[tilespmem:$0x10100] =	vst v63  }
0x9b: {  	v3 =	vld [tilespmem:$0xB0];
	_ =	sdelay $0x4  }
0x9c: {  	v59 =	vshll.u32 v3, $0x1  }
0x9d: {  	v3 =	vand.u32 $0x7, v3;
	v4 =	vand.u32 $0xFFFFFFF0, v59  }
0x9e: {  	v3 =	vor.u32 v3, v4  }
0x9f: {  	v4 =	vperm.xlane v3, v0;
	_ =	sdelay $0x1  }
0xa0: {  	v3 =	vperm.xlane v3, v2;
	v4 =	vadd.s32 v1, v4;
	_ =	sdelay $0x1  }
0xa1: {  	v3 =	vadd.s32 v1, v3;
	_ =	sdelay $0x2  }
0xa2: {  	[tilespmem:s18], [sflag:$0x3] =	stream.indirect_vreg.gather [hbm4b:s2+s3], $0x80, v4, vm0, $0xb8;
	[tilespmem:$0x10100] =	vst v63  }
0xa3: {  	_ = 	snop  }
0xa4: {  	[tilespmem:s19], [sflag:$0x3] =	stream.indirect_vreg.gather [hbm4b:s2+s3], $0x80, v3, vm0, $0xb8;
	[tilespmem:$0x10100] =	vst v63  }
0xa5: {  	v3 =	vld [tilespmem:$0xC0];
	_ =	sdelay $0x4  }
0xa6: {  	v60 =	vshll.u32 v3, $0x1  }
0xa7: {  	v3 =	vand.u32 $0x7, v3;
	v4 =	vand.u32 $0xFFFFFFF0, v60  }
0xa8: {  	v3 =	vor.u32 v3, v4  }
0xa9: {  	v4 =	vperm.xlane v3, v0;
	_ =	sdelay $0x1  }
0xaa: {  	v3 =	vperm.xlane v3, v2;
	v4 =	vadd.s32 v1, v4;
	_ =	sdelay $0x1  }
0xab: {  	v3 =	vadd.s32 v1, v3;
	_ =	sdelay $0x2  }
0xac: {  	[tilespmem:s20], [sflag:$0x3] =	stream.indirect_vreg.gather [hbm4b:s2+s3], $0x80, v4, vm0, $0xb8;
	[tilespmem:$0x10100] =	vst v63  }
0xad: {  	_ = 	snop  }
0xae: {  	[tilespmem:s21], [sflag:$0x3] =	stream.indirect_vreg.gather [hbm4b:s2+s3], $0x80, v3, vm0, $0xb8;
	[tilespmem:$0x10100] =	vst v63  }
0xaf: {  	v3 =	vld [tilespmem:$0xD0];
	_ =	sdelay $0x4  }
0xb0: {  	v61 =	vshll.u32 v3, $0x1  }
0xb1: {  	v3 =	vand.u32 $0x7, v3;
	v4 =	vand.u32 $0xFFFFFFF0, v61  }
0xb2: {  	v3 =	vor.u32 v3, v4  }
0xb3: {  	v4 =	vperm.xlane v3, v0;
	_ =	sdelay $0x1  }
0xb4: {  	v3 =	vperm.xlane v3, v2;
	v4 =	vadd.s32 v1, v4;
	_ =	sdelay $0x1  }
0xb5: {  	v3 =	vadd.s32 v1, v3;
	_ =	sdelay $0x2  }
0xb6: {  	[tilespmem:s22], [sflag:$0x3] =	stream.indirect_vreg.gather [hbm4b:s2+s3], $0x80, v4, vm0, $0xb8;
	[tilespmem:$0x10100] =	vst v63  }
0xb7: {  	_ = 	snop  }
0xb8: {  	[tilespmem:s23], [sflag:$0x3] =	stream.indirect_vreg.gather [hbm4b:s2+s3], $0x80, v3, vm0, $0xb8;
	[tilespmem:$0x10100] =	vst v63  }
0xb9: {  	v3 =	vld [tilespmem:$0xE0];
	_ =	sdelay $0x4  }
0xba: {  	v62 =	vshll.u32 v3, $0x1  }
0xbb: {  	v3 =	vand.u32 $0x7, v3;
	v4 =	vand.u32 $0xFFFFFFF0, v62  }
0xbc: {  	v3 =	vor.u32 v3, v4  }
0xbd: {  	v4 =	vperm.xlane v3, v0;
	_ =	sdelay $0x1  }
0xbe: {  	v3 =	vperm.xlane v3, v2;
	v4 =	vadd.s32 v1, v4;
	_ =	sdelay $0x1  }
0xbf: {  	v3 =	vadd.s32 v1, v3;
	_ =	sdelay $0x2  }
0xc0: {  	[tilespmem:s24], [sflag:$0x3] =	stream.indirect_vreg.gather [hbm4b:s2+s3], $0x80, v4, vm0, $0xb8;
	[tilespmem:$0x10100] =	vst v63  }
0xc1: {  	_ = 	snop  }
0xc2: {  	[tilespmem:s25], [sflag:$0x3] =	stream.indirect_vreg.gather [hbm4b:s2+s3], $0x80, v3, vm0, $0xb8;
	[tilespmem:$0x10100] =	vst v63  }
0xc3: {  	v3 =	vld [tilespmem:$0xF0];
	_ =	sdelay $0x4  }
0xc4: {  	v63 =	vshll.u32 v3, $0x1  }
0xc5: {  	v3 =	vand.u32 $0x7, v3;
	v4 =	vand.u32 $0xFFFFFFF0, v63  }
0xc6: {  	v3 =	vor.u32 v3, v4  }
0xc7: {  	v4 =	vperm.xlane v3, v0;
	_ =	sdelay $0x1  }
0xc8: {  	v3 =	vperm.xlane v3, v2;
	v4 =	vadd.s32 v1, v4;
	_ =	sdelay $0x1  }
0xc9: {  	v3 =	vadd.s32 v1, v3;
	_ =	sdelay $0x2  }
0xca: {  	[tilespmem:s26], [sflag:$0x3] =	stream.indirect_vreg.gather [hbm4b:s2+s3], $0x80, v4, vm0, $0xb8;
	[tilespmem:$0x10100] =	vst v63  }
0xcb: {  	_ = 	snop  }
0xcc: {  	[tilespmem:s28], [sflag:$0x3] =	stream.indirect_vreg.gather [hbm4b:s2+s3], $0x80, v3, vm0, $0xb8;
	[tilespmem:$0x10100] =	vst v63  }
0xcd: {  	_ =	swait.ge [sflag:s29], $0x8000  }
0xce: {  	[sflag:s29] =	ssyncset.done $0x0  }
0xcf: {  	s7 =	rddreg [dreg:$0x5];
	[sflag:s29] =	ssyncadd.s32 $0xFFFF8000  }
0xd0: {  	[hbm4b:s7+s3] =	stream.linear.scatter [tilespmem:s6], [sflag:$0x4], $0x8000, $0x38;
	[tilespmem:$0x10100] =	vst v63  }
0xd1: {  	_ =	swait.ge [sflag:s30], $0x8000  }
0xd2: {  	[sflag:s30] =	ssyncset.done $0x0  }
0xd3: {  	s8 =	rddreg [dreg:$0x6];
	[sflag:s30] =	ssyncadd.s32 $0xFFFF8000  }
0xd4: {  	[hbm4b:s8+s3] =	stream.linear.scatter [tilespmem:s12], [sflag:$0x5], $0x8000, $0x38;
	[tilespmem:$0x10100] =	vst v63  }
0xd5: {  	p0 =	sne.s32 s4, $0x1;
	_ =	swait.ge [sflag:s31], $0x8000  }
.Ltmp0:
0xd6: {  	[sflag:s31] =	ssyncset.done $0x0;
	(pc) =	sbr.rel @p0 .LBB2_1-.Ltmp0, $4  }
0xd7: {  	[sflag:s31] =	ssyncadd.s32 $0xFFFF8000  }
0xd8: {  	_ =	swait.ge [sflag:s0], $0x8000  }
0xd9: {  	[sflag:s0] =	ssyncset.done $0x0  }
0xda: {  	s4 =	sadd.s32 $0xFFFFFFFF, s4;
	[sflag:s0] =	ssyncadd.s32 $0xFFFF8000  }
0xdb: {  	_ =	sfence.sel $0x180000  }
0xdc: {  	[bflag:$0x0] =	sbarrier.arrive $0xFFFF  }
0xdd: {  	_ =	strace $0x9000004A  }
0xde: {  	s0 =	stileid.u32;
	[bflag:$0x2] =	sbarrier.arrive $0xFFFF  }
0xdf: {  	p0 =	sne.s32 s0, $0x0;
	s0 =	rddreg [dreg:$0x2]  }
0xe0: {  	s0 =	sadd.s32 @!p0 $0x100000, s0  }
0xe1: {  	[sflag:s0] =	ssyncadd.tile.s32 @!p0 $0x1;
	_ =	shalt  }
.Lfunc_end2:
_tile_overlayer_lowered:
.L_overlay_start_2:
0xe2: {  	(tag) =	ssettag $0x2  }
0xe3: {  	s0 =	rddreg [dreg:$0x0];
	s2 =	stileid.u32  }
0xe4: {  	s1 =	rddreg [dreg:$0x1];
	p0 =	sne.s32 s2, $0x0  }
0xe5: {  	s3 =	rddreg [dreg:$0x2];
	[bflag:$0x3] =	sbarrier.arrive $0xFFFF;
	s2 =	simm.s32 @!p0 $0x1C06  }
0xe6: {  	[timem:s3], [sflag:s2] =	dma.local @!p0 [hbm:s0], s1  }
0xe7: {  	s0 =	simm.s32 @!p0 $0x6  }
0xe8: {  	_ =	swait.ge @!p0 [sflag:s0], s1  }
0xe9: {  	s1 =	ssub.s32 @!p0 $0x0, s1;
	[sflag:s0] =	ssyncset.done @!p0 $0x0  }
0xea: {  	[sflag:s0] =	ssyncadd.s32 @!p0 s1  }
0xeb: {  	[bflag:$0x3] =	sbarrier.arrive $0xFFFF  }
0xec: {  	_ =	shalt  }

</sc_bundles>
